<compile_context>
chip_gen: v7x
topology: tpu7x:2x2x1
jax: 0.10.2.dev20260603
libtpu: 0.0.44.dev20260713+nightly
codegen_flags: <defaults>
</compile_context>

<pallas_src>
import functools

import numpy as np
import jax
import jax.numpy as jnp
from jax import lax
from jax.experimental import pallas as pl
from jax.experimental.pallas import tpu as pltpu
from jax.experimental.pallas import tpu_sc as plsc

VOCAB = 1000000
EMB = 64
SEQ = 200
HEADS = 4
BATCH = 1024
MASK_TOKEN = 12975

NC = 2
NS = 16
NW = NC * NS
TOKENS = BATCH * SEQ
CHUNK = 128
NCHUNK = TOKENS // CHUNK
CPW = NCHUNK // NW


def _make_pos_table(n_position, d_hid):
    pos = np.arange(n_position, dtype=np.float64)[:, None]
    hid = np.arange(d_hid, dtype=np.float64)[None, :]
    angle = pos / np.power(10000.0, 2.0 * np.floor(hid / 2.0) / d_hid)
    table = angle.copy()
    table[:, 0::2] = np.sin(angle[:, 0::2])
    table[:, 1::2] = np.cos(angle[:, 1::2])
    return np.asarray(table, dtype=np.float32)


_POS_NP = _make_pos_table(SEQ, EMB)



def _gather_body(idx_hbm, tab_hbm, y_hbm, idx_v, rows_v, gsem, wsem):
    wid = lax.axis_index("s") * NC + lax.axis_index("c")
    base_c = wid * CPW
    pltpu.sync_copy(idx_hbm.at[wid], idx_v)

    def pair(p, carry):
        for b in range(2):
            c = p * 2 + b

            @pl.when(p >= 1)
            def _():
                pltpu.make_async_copy(
                    rows_v.at[b],
                    y_hbm.at[pl.ds((base_c + c - 2) * CHUNK, CHUNK)],
                    wsem,
                ).wait()

            pltpu.async_copy(
                tab_hbm.at[idx_v.at[c]], rows_v.at[b], gsem
            ).wait()
            pltpu.async_copy(
                rows_v.at[b],
                y_hbm.at[pl.ds((base_c + c) * CHUNK, CHUNK)],
                wsem,
            )
        return carry

    lax.fori_loop(0, CPW // 2, pair, 0)
    for b in range(2):
        pltpu.make_async_copy(
            rows_v.at[b],
            y_hbm.at[pl.ds((base_c + CPW - 2 + b) * CHUNK, CHUNK)],
            wsem,
        ).wait()


@functools.cache
def _make_gather_call():
    return pl.kernel(
        _gather_body,
        out_type=jax.ShapeDtypeStruct((TOKENS, 128), jnp.float32),
        mesh=plsc.VectorSubcoreMesh(core_axis_name="c", subcore_axis_name="s"),
        scratch_types=[
            pltpu.VMEM((CPW, CHUNK), jnp.int32),
            pltpu.VMEM((2, CHUNK, 128), jnp.float32),
            pltpu.SemaphoreType.DMA,
            pltpu.SemaphoreType.DMA,
        ],
    )



_LB = 8


def _yfin_body(y128_ref, xt_ref, pos_ref, out_ref):
    r = pl.program_id(0)
    for j in range(_LB):
        vj = y128_ref[pl.ds(j * BATCH, BATCH), :]
        pj = (xt_ref[pl.ds(j, 1), :] & 1) == 1
        sel = jnp.where(pj, vj[:, EMB:2 * EMB].T, vj[:, 0:EMB].T)
        oh = (lax.broadcasted_iota(jnp.int32, (SEQ, 1), 0)
              == r * _LB + j).astype(jnp.float32)
        pcol = jax.lax.dot(pos_ref[...], oh,
                           precision=jax.lax.Precision.HIGHEST,
                           preferred_element_type=jnp.float32)
        out_ref[j] = sel + pcol


@functools.cache
def _make_yfin_call():
    return pl.pallas_call(
        _yfin_body,
        grid=(SEQ // _LB,),
        in_specs=[
            pl.BlockSpec((_LB * BATCH, 128), lambda r: (r, 0)),
            pl.BlockSpec((_LB, BATCH), lambda r: (r, 0)),
            pl.BlockSpec((EMB, SEQ), lambda r: (0, 0)),
        ],
        out_specs=pl.BlockSpec((_LB, EMB, BATCH), lambda r: (r, 0, 0)),
        out_shape=jax.ShapeDtypeStruct((SEQ, EMB, BATCH), jnp.float32),
    )



def _stage0_body(xt_ref, mask_ref, first_ref):
    xt = xt_ref[...]
    m = xt == MASK_TOKEN
    mask_ref[...] = m.astype(jnp.int32)
    li = lax.broadcasted_iota(jnp.int32, (SEQ, BATCH), 0)
    first_ref[...] = jnp.min(
        jnp.where(m, li, SEQ - 1), axis=0, keepdims=True
    )


@functools.cache
def _make_stage0_call():
    return pl.pallas_call(
        _stage0_body,
        grid=(1,),
        in_specs=[pl.BlockSpec((SEQ, BATCH), lambda i: (0, 0))],
        out_specs=[
            pl.BlockSpec((SEQ, BATCH), lambda i: (0, 0)),
            pl.BlockSpec((1, BATCH), lambda i: (0, 0)),
        ],
        out_shape=[
            jax.ShapeDtypeStruct((SEQ, BATCH), jnp.int32),
            jax.ShapeDtypeStruct((1, BATCH), jnp.int32),
        ],
    )


_RB = 8


def _mask_body(mask_ref, first_ref, out_ref):
    r0 = pl.program_id(0) * _RB
    first = first_ref[...]
    ri = lax.broadcasted_iota(jnp.int32, (_RB, 1, BATCH), 0) + r0
    ge = (ri >= first[None]).astype(jnp.int32)
    m = mask_ref[...][None]
    out_ref[...] = (m | ge).astype(jnp.int8)


@functools.cache
def _make_mask_call():
    return pl.pallas_call(
        _mask_body,
        grid=(SEQ // _RB,),
        in_specs=[
            pl.BlockSpec((SEQ, BATCH), lambda r: (0, 0)),
            pl.BlockSpec((1, BATCH), lambda r: (0, 0)),
        ],
        out_specs=pl.BlockSpec((_RB, SEQ, BATCH), lambda r: (r, 0, 0)),
        out_shape=jax.ShapeDtypeStruct((SEQ, SEQ, BATCH), jnp.int8),
    )


@jax.jit
def kernel(x, table):
    pos_t = jnp.asarray(_POS_NP.T.copy())
    xt = x.T
    tabp = table.reshape(VOCAB // 2, 128)
    idx3d = (xt >> 1).reshape(NW, CPW, CHUNK)
    y128 = _make_gather_call()(idx3d, tabp)
    y_phys = _make_yfin_call()(y128, xt, pos_t)
    y = y_phys.transpose(2, 0, 1)
    mask_sb, first_b = _make_stage0_call()(xt)
    m_phys = _make_mask_call()(mask_sb, first_b)
    mb = m_phys.transpose(2, 0, 1)
    remask2 = jnp.broadcast_to(mb[:, None], (BATCH, HEADS, SEQ, SEQ)) != 0
    return (y, remask2)

# --- scband reference (transcript-rebuilt; emitter-appended) ---
"""Pipeline reference for scband-embedding-ready-75453985456999 (READ-ONLY COPY).

The authoritative reference and input builder live on the scoring server;
editing this copy changes nothing except your own understanding.
"""

import jax, jax.numpy as jnp
import numpy as np

VOCAB = 1000000
EMB = 64
SEQ = 200
HEADS = 4
BATCH = 1024
N_POSITION = 200
MASK_TOKEN = 12975


def _sinusoid_table(n_position, d_hid):
    pos = np.arange(n_position, dtype=np.float64)[:, None]
    hid = np.arange(d_hid, dtype=np.float64)[None, :]
    angle = pos / np.power(10000.0, 2.0 * np.floor(hid / 2.0) / d_hid)
    table = angle.copy()
    table[:, 0::2] = np.sin(angle[:, 0::2])
    table[:, 1::2] = np.cos(angle[:, 1::2])
    return jnp.asarray(table[None, :, :], dtype=jnp.float32)  # [1, n_position, d_hid]

POS_TABLE = _sinusoid_table(N_POSITION, EMB)


def setup_inputs(seed: int = 0) -> dict:
    key = jax.random.key(seed)
    k1, k2 = jax.random.split(key)
    x = jax.random.randint(k1, (BATCH, SEQ), 0, VOCAB, dtype=jnp.int32)
    # nn.Embedding default init ~ N(0, 1)
    table = jax.random.normal(k2, (VOCAB, EMB), dtype=jnp.float32)
    return {"x": x, "table": table}


def reference(x, table):
    B, L = x.shape
    # get_mask: pad-token causal-style mask
    mask = (x == MASK_TOKEN)  # [B, L]
    # torch loop: find first True in row 0 of remask[b] (== mask[b]); if none, i = L-1
    has_true = jnp.any(mask, axis=1)
    first_true = jnp.where(has_true, jnp.argmax(mask, axis=1), L - 1)  # [B]
    rows = jnp.arange(L)
    # remask[b, r, c] = mask[b, c] OR (r >= first_true[b])
    remask = mask[:, None, :] | (rows[None, :, None] >= first_true[:, None, None])  # [B, L, L]
    remask2 = jnp.repeat(remask[:, None, :, :], HEADS, axis=1)  # [B, H, L, L]
    # embedding lookup (SparseCore gather)
    x_embedding = jnp.take(table, x, axis=0)  # [B, L, EMB]
    # positional encoding + dropout (eval-mode no-op) + .detach() -> stop_gradient
    y = x_embedding + POS_TABLE[:, :L]
    y = jax.lax.stop_gradient(y)
    return (y, remask2)

if __name__ == "__main__":
    import jax
    _d = setup_inputs()
    print(jax.jit(kernel)(*tuple(_d.values())))

</pallas_src>

<mosaic_0001>
#map = affine_map<(d0, d1) -> (0, 0, 0)>
#map1 = affine_map<(d0, d1) -> (0, 0)>
module attributes {stable_mosaic.version = 14 : i64} {
  func.func @_gather_body(%arg0: i32, %arg1: i32, %arg2: memref<32x50x128xi32, #tpu.memory_space<hbm>>, %arg3: memref<500000x128xf32, #tpu.memory_space<hbm>>, %arg4: memref<204800x128xf32, #tpu.memory_space<hbm>>, %arg5: memref<50x128xi32, #tpu.memory_space<vmem>>, %arg6: memref<2x128x128xf32, #tpu.memory_space<vmem>>, %arg7: memref<!tpu.dma_semaphore, #tpu.memory_space<semaphore_mem>>, %arg8: memref<!tpu.dma_semaphore, #tpu.memory_space<semaphore_mem>>) attributes {dimension_semantics = [#tpu.dimension_semantics<core_parallel>, #tpu.dimension_semantics<subcore_parallel>], iteration_bounds = array<i64: 2, 16>, scalar_prefetch = 0 : i64, scratch_operands = 4 : i64, tpu.core_type = #tpu.core_type<sc_vector_subcore>, window_params = [{transform_indices = #map}, {transform_indices = #map1}, {transform_indices = #map1}]} {
    %mul3A = arith.constant 2 : i32
    %mul3A_0 = arith.muli %arg1, %mul3A : i32
    %add3A = arith.addi %mul3A_0, %arg0 : i32
    %mul3A_1 = arith.constant 50 : i32
    %mul3A_2 = arith.muli %add3A, %mul3A_1 : i32
    "tpu.region"() ({
      %run_scoped3A = tpu.sem_alloc : memref<!tpu.dma_semaphore, #tpu.memory_space<semaphore_mem>>
      %dma_start3A = arith.constant 0 : i32
      %dma_start3A_48 = arith.constant 0 : i32
      %dma_start3A_49 = tpu.memref_slice %arg2[%add3A, %dma_start3A, %dma_start3A_48] : memref<32x50x128xi32, #tpu.memory_space<hbm>> -> memref<1x50x128xi32, #tpu.memory_space<hbm>>
      %dma_start3A_50 = tpu.memref_squeeze %dma_start3A_49 : memref<1x50x128xi32, #tpu.memory_space<hbm>> -> memref<50x128xi32, #tpu.memory_space<hbm>>
      %dma_start3A_51 = arith.constant 0 : i32
      %dma_start3A_52 = arith.constant 0 : i32
      %dma_start3A_53 = tpu.memref_slice %arg2[%add3A, %dma_start3A_51, %dma_start3A_52] : memref<32x50x128xi32, #tpu.memory_space<hbm>> -> memref<1x50x128xi32, #tpu.memory_space<hbm>>
      %dma_start3A_54 = tpu.memref_squeeze %dma_start3A_53 : memref<1x50x128xi32, #tpu.memory_space<hbm>> -> memref<50x128xi32, #tpu.memory_space<hbm>>
      tpu.enqueue_dma source(%dma_start3A_54 : memref<50x128xi32, #tpu.memory_space<hbm>>) target(%arg5 : memref<50x128xi32, #tpu.memory_space<vmem>>) target_semaphore(%run_scoped3A : memref<!tpu.dma_semaphore, #tpu.memory_space<semaphore_mem>>)
      %dma_wait3A_55 = arith.constant 0 : i32
      %dma_wait3A_56 = arith.constant 0 : i32
      %dma_wait3A_57 = tpu.memref_slice %arg2[%add3A, %dma_wait3A_55, %dma_wait3A_56] : memref<32x50x128xi32, #tpu.memory_space<hbm>> -> memref<1x50x128xi32, #tpu.memory_space<hbm>>
      %dma_wait3A_58 = tpu.memref_squeeze %dma_wait3A_57 : memref<1x50x128xi32, #tpu.memory_space<hbm>> -> memref<50x128xi32, #tpu.memory_space<hbm>>
      %dma_wait3A_59 = arith.constant 0 : i32
      %dma_wait3A_60 = arith.constant 0 : i32
      %dma_wait3A_61 = tpu.memref_slice %arg2[%add3A, %dma_wait3A_59, %dma_wait3A_60] : memref<32x50x128xi32, #tpu.memory_space<hbm>> -> memref<1x50x128xi32, #tpu.memory_space<hbm>>
      %dma_wait3A_62 = tpu.memref_squeeze %dma_wait3A_61 : memref<1x50x128xi32, #tpu.memory_space<hbm>> -> memref<50x128xi32, #tpu.memory_space<hbm>>
      tpu.wait_dma2 semaphore(%run_scoped3A : memref<!tpu.dma_semaphore, #tpu.memory_space<semaphore_mem>>) src(%dma_wait3A_62 : memref<50x128xi32, #tpu.memory_space<hbm>>) dst(%arg5 : memref<50x128xi32, #tpu.memory_space<vmem>>)
      tpu.yield
    }) : () -> ()
    %scan3A = arith.constant 0 : i32
    %scan3A_3 = arith.constant 0 : i32
    %scan3A_4 = arith.constant 25 : i32
    %scan3A_5 = arith.addi %scan3A_3, %scan3A_4 : i32
    %scan3A_6 = arith.constant 1 : i32
    scf.for %scan3A_48 = %scan3A_3 to %scan3A_5 step %scan3A_6  : i32 {
      %mul3A_49 = arith.constant 2 : i32
      %mul3A_50 = arith.muli %scan3A_48, %mul3A_49 : i32
      %add3A_51 = arith.constant 0 : i32
      %add3A_52 = arith.addi %mul3A_50, %add3A_51 : i32
      %ge3A = arith.constant 1 : i32
      %ge3A_53 = arith.cmpi sge, %scan3A_48, %ge3A : i32
      %convert_element_type3A = arith.extui %ge3A_53 : i1 to i32
      %cond3A = arith.constant 0 : i32
      %cond3A_54 = arith.cmpi ne, %convert_element_type3A, %cond3A : i32
      scf.if %cond3A_54 {
        %add3A_139 = arith.addi %mul3A_2, %add3A_52 : i32
        %sub3A_140 = arith.constant 2 : i32
        %sub3A_141 = arith.subi %add3A_139, %sub3A_140 : i32
        %mul3A_142 = arith.constant 128 : i32
        %mul3A_143 = arith.muli %sub3A_141, %mul3A_142 : i32
        %dma_wait3A_144 = arith.constant 0 : i32
        %dma_wait3A_145 = arith.constant 0 : i32
        %dma_wait3A_146 = arith.constant 0 : i32
        %dma_wait3A_147 = tpu.memref_slice %arg6[%dma_wait3A_144, %dma_wait3A_145, %dma_wait3A_146] : memref<2x128x128xf32, #tpu.memory_space<vmem>> -> memref<1x128x128xf32, #tpu.memory_space<vmem>>
        %dma_wait3A_148 = tpu.memref_squeeze %dma_wait3A_147 : memref<1x128x128xf32, #tpu.memory_space<vmem>> -> memref<128x128xf32, #tpu.memory_space<vmem>>
        %dma_wait3A_149 = arith.constant 0 : i32
        %dma_wait3A_150 = tpu.memref_slice %arg4[%mul3A_143, %dma_wait3A_149] : memref<204800x128xf32, #tpu.memory_space<hbm>> -> memref<128x128xf32, #tpu.memory_space<hbm>>
        %dma_wait3A_151 = arith.constant 0 : i32
        %dma_wait3A_152 = tpu.memref_slice %arg4[%mul3A_143, %dma_wait3A_151] : memref<204800x128xf32, #tpu.memory_space<hbm>> -> memref<128x128xf32, #tpu.memory_space<hbm>>
        %dma_wait3A_153 = arith.constant 0 : i32
        %dma_wait3A_154 = arith.constant 0 : i32
        %dma_wait3A_155 = tpu.memref_slice %arg6[%dma_wait3A_144, %dma_wait3A_153, %dma_wait3A_154] : memref<2x128x128xf32, #tpu.memory_space<vmem>> -> memref<1x128x128xf32, #tpu.memory_space<vmem>>
        %dma_wait3A_156 = tpu.memref_squeeze %dma_wait3A_155 : memref<1x128x128xf32, #tpu.memory_space<vmem>> -> memref<128x128xf32, #tpu.memory_space<vmem>>
        tpu.wait_dma2 semaphore(%arg8 : memref<!tpu.dma_semaphore, #tpu.memory_space<semaphore_mem>>) src(%dma_wait3A_156 : memref<128x128xf32, #tpu.memory_space<vmem>>) dst(%dma_wait3A_152 : memref<128x128xf32, #tpu.memory_space<hbm>>)
      } else {
      }
      %dma_start3A = arith.constant 0 : i32
      %dma_start3A_55 = arith.constant 0 : i32
      %dma_start3A_56 = arith.constant 0 : i32
      %dma_start3A_57 = tpu.memref_slice %arg6[%dma_start3A, %dma_start3A_55, %dma_start3A_56] : memref<2x128x128xf32, #tpu.memory_space<vmem>> -> memref<1x128x128xf32, #tpu.memory_space<vmem>>
      %dma_start3A_58 = tpu.memref_squeeze %dma_start3A_57 : memref<1x128x128xf32, #tpu.memory_space<vmem>> -> memref<128x128xf32, #tpu.memory_space<vmem>>
      %dma_start3A_59 = arith.constant 0 : i32
      %dma_start3A_60 = tpu.memref_slice %arg5[%add3A_52, %dma_start3A_59] : memref<50x128xi32, #tpu.memory_space<vmem>> -> memref<1x128xi32, #tpu.memory_space<vmem>>
      %dma_start3A_61 = tpu.memref_squeeze %dma_start3A_60 : memref<1x128xi32, #tpu.memory_space<vmem>> -> memref<128xi32, #tpu.memory_space<vmem>>
      %dma_start3A_62 = arith.constant 0 : i32
      %dma_start3A_63 = arith.constant 0 : i32
      %dma_start3A_64 = tpu.memref_slice %arg3[%dma_start3A_62, %dma_start3A_63] : memref<500000x128xf32, #tpu.memory_space<hbm>> -> memref<500000x128xf32, #tpu.memory_space<hbm>>
      tpu.enqueue_indirect_dma source(%dma_start3A_64 : memref<500000x128xf32, #tpu.memory_space<hbm>>) target(%dma_start3A_58 : memref<128x128xf32, #tpu.memory_space<vmem>>) offsets(%dma_start3A_61 : memref<128xi32, #tpu.memory_space<vmem>>) semaphore(%arg7 : memref<!tpu.dma_semaphore, #tpu.memory_space<semaphore_mem>>)
      %dma_wait3A_65 = arith.constant 0 : i32
      %dma_wait3A_66 = arith.constant 0 : i32
      %dma_wait3A_67 = arith.constant 0 : i32
      %dma_wait3A_68 = tpu.memref_slice %arg6[%dma_wait3A_65, %dma_wait3A_66, %dma_wait3A_67] : memref<2x128x128xf32, #tpu.memory_space<vmem>> -> memref<1x128x128xf32, #tpu.memory_space<vmem>>
      %dma_wait3A_69 = tpu.memref_squeeze %dma_wait3A_68 : memref<1x128x128xf32, #tpu.memory_space<vmem>> -> memref<128x128xf32, #tpu.memory_space<vmem>>
      %dma_wait3A_70 = arith.constant 0 : i32
      %dma_wait3A_71 = tpu.memref_slice %arg5[%add3A_52, %dma_wait3A_70] : memref<50x128xi32, #tpu.memory_space<vmem>> -> memref<1x128xi32, #tpu.memory_space<vmem>>
      %dma_wait3A_72 = tpu.memref_squeeze %dma_wait3A_71 : memref<1x128xi32, #tpu.memory_space<vmem>> -> memref<128xi32, #tpu.memory_space<vmem>>
      %dma_wait3A_73 = arith.constant 0 : i32
      %dma_wait3A_74 = arith.constant 0 : i32
      %dma_wait3A_75 = tpu.memref_slice %arg3[%dma_wait3A_73, %dma_wait3A_74] : memref<500000x128xf32, #tpu.memory_space<hbm>> -> memref<500000x128xf32, #tpu.memory_space<hbm>>
      tpu.wait_indirect_dma semaphore(%arg7 : memref<!tpu.dma_semaphore, #tpu.memory_space<semaphore_mem>>) src(%dma_wait3A_75 : memref<500000x128xf32, #tpu.memory_space<hbm>>) dst(%dma_wait3A_69 : memref<128x128xf32, #tpu.memory_space<vmem>>)
      %add3A_76 = arith.addi %mul3A_2, %add3A_52 : i32
      %mul3A_77 = arith.constant 128 : i32
      %mul3A_78 = arith.muli %add3A_76, %mul3A_77 : i32
      %dma_start3A_79 = arith.constant 0 : i32
      %dma_start3A_80 = arith.constant 0 : i32
      %dma_start3A_81 = arith.constant 0 : i32
      %dma_start3A_82 = tpu.memref_slice %arg6[%dma_start3A_79, %dma_start3A_80, %dma_start3A_81] : memref<2x128x128xf32, #tpu.memory_space<vmem>> -> memref<1x128x128xf32, #tpu.memory_space<vmem>>
      %dma_start3A_83 = tpu.memref_squeeze %dma_start3A_82 : memref<1x128x128xf32, #tpu.memory_space<vmem>> -> memref<128x128xf32, #tpu.memory_space<vmem>>
      %dma_start3A_84 = arith.constant 0 : i32
      %dma_start3A_85 = tpu.memref_slice %arg4[%mul3A_78, %dma_start3A_84] : memref<204800x128xf32, #tpu.memory_space<hbm>> -> memref<128x128xf32, #tpu.memory_space<hbm>>
      %dma_start3A_86 = arith.constant 0 : i32
      %dma_start3A_87 = tpu.memref_slice %arg4[%mul3A_78, %dma_start3A_86] : memref<204800x128xf32, #tpu.memory_space<hbm>> -> memref<128x128xf32, #tpu.memory_space<hbm>>
      %dma_start3A_88 = arith.constant 0 : i32
      %dma_start3A_89 = arith.constant 0 : i32
      %dma_start3A_90 = tpu.memref_slice %arg6[%dma_start3A_79, %dma_start3A_88, %dma_start3A_89] : memref<2x128x128xf32, #tpu.memory_space<vmem>> -> memref<1x128x128xf32, #tpu.memory_space<vmem>>
      %dma_start3A_91 = tpu.memref_squeeze %dma_start3A_90 : memref<1x128x128xf32, #tpu.memory_space<vmem>> -> memref<128x128xf32, #tpu.memory_space<vmem>>
      tpu.enqueue_dma source(%dma_start3A_91 : memref<128x128xf32, #tpu.memory_space<vmem>>) target(%dma_start3A_87 : memref<128x128xf32, #tpu.memory_space<hbm>>) target_semaphore(%arg8 : memref<!tpu.dma_semaphore, #tpu.memory_space<semaphore_mem>>)
      %mul3A_92 = arith.constant 2 : i32
      %mul3A_93 = arith.muli %scan3A_48, %mul3A_92 : i32
      %add3A_94 = arith.constant 1 : i32
      %add3A_95 = arith.addi %mul3A_93, %add3A_94 : i32
      %ge3A_96 = arith.constant 1 : i32
      %ge3A_97 = arith.cmpi sge, %scan3A_48, %ge3A_96 : i32
      %convert_element_type3A_98 = arith.extui %ge3A_97 : i1 to i32
      %cond3A_99 = arith.constant 0 : i32
      %cond3A_100 = arith.cmpi ne, %convert_element_type3A_98, %cond3A_99 : i32
      scf.if %cond3A_100 {
        %add3A_139 = arith.addi %mul3A_2, %add3A_95 : i32
        %sub3A_140 = arith.constant 2 : i32
        %sub3A_141 = arith.subi %add3A_139, %sub3A_140 : i32
        %mul3A_142 = arith.constant 128 : i32
        %mul3A_143 = arith.muli %sub3A_141, %mul3A_142 : i32
        %dma_wait3A_144 = arith.constant 1 : i32
        %dma_wait3A_145 = arith.constant 0 : i32
        %dma_wait3A_146 = arith.constant 0 : i32
        %dma_wait3A_147 = tpu.memref_slice %arg6[%dma_wait3A_144, %dma_wait3A_145, %dma_wait3A_146] : memref<2x128x128xf32, #tpu.memory_space<vmem>> -> memref<1x128x128xf32, #tpu.memory_space<vmem>>
        %dma_wait3A_148 = tpu.memref_squeeze %dma_wait3A_147 : memref<1x128x128xf32, #tpu.memory_space<vmem>> -> memref<128x128xf32, #tpu.memory_space<vmem>>
        %dma_wait3A_149 = arith.constant 0 : i32
        %dma_wait3A_150 = tpu.memref_slice %arg4[%mul3A_143, %dma_wait3A_149] : memref<204800x128xf32, #tpu.memory_space<hbm>> -> memref<128x128xf32, #tpu.memory_space<hbm>>
        %dma_wait3A_151 = arith.constant 0 : i32
        %dma_wait3A_152 = tpu.memref_slice %arg4[%mul3A_143, %dma_wait3A_151] : memref<204800x128xf32, #tpu.memory_space<hbm>> -> memref<128x128xf32, #tpu.memory_space<hbm>>
        %dma_wait3A_153 = arith.constant 0 : i32
        %dma_wait3A_154 = arith.constant 0 : i32
        %dma_wait3A_155 = tpu.memref_slice %arg6[%dma_wait3A_144, %dma_wait3A_153, %dma_wait3A_154] : memref<2x128x128xf32, #tpu.memory_space<vmem>> -> memref<1x128x128xf32, #tpu.memory_space<vmem>>
        %dma_wait3A_156 = tpu.memref_squeeze %dma_wait3A_155 : memref<1x128x128xf32, #tpu.memory_space<vmem>> -> memref<128x128xf32, #tpu.memory_space<vmem>>
        tpu.wait_dma2 semaphore(%arg8 : memref<!tpu.dma_semaphore, #tpu.memory_space<semaphore_mem>>) src(%dma_wait3A_156 : memref<128x128xf32, #tpu.memory_space<vmem>>) dst(%dma_wait3A_152 : memref<128x128xf32, #tpu.memory_space<hbm>>)
      } else {
      }
      %dma_start3A_101 = arith.constant 1 : i32
      %dma_start3A_102 = arith.constant 0 : i32
      %dma_start3A_103 = arith.constant 0 : i32
      %dma_start3A_104 = tpu.memref_slice %arg6[%dma_start3A_101, %dma_start3A_102, %dma_start3A_103] : memref<2x128x128xf32, #tpu.memory_space<vmem>> -> memref<1x128x128xf32, #tpu.memory_space<vmem>>
      %dma_start3A_105 = tpu.memref_squeeze %dma_start3A_104 : memref<1x128x128xf32, #tpu.memory_space<vmem>> -> memref<128x128xf32, #tpu.memory_space<vmem>>
      %dma_start3A_106 = arith.constant 0 : i32
      %dma_start3A_107 = tpu.memref_slice %arg5[%add3A_95, %dma_start3A_106] : memref<50x128xi32, #tpu.memory_space<vmem>> -> memref<1x128xi32, #tpu.memory_space<vmem>>
      %dma_start3A_108 = tpu.memref_squeeze %dma_start3A_107 : memref<1x128xi32, #tpu.memory_space<vmem>> -> memref<128xi32, #tpu.memory_space<vmem>>
      %dma_start3A_109 = arith.constant 0 : i32
      %dma_start3A_110 = arith.constant 0 : i32
      %dma_start3A_111 = tpu.memref_slice %arg3[%dma_start3A_109, %dma_start3A_110] : memref<500000x128xf32, #tpu.memory_space<hbm>> -> memref<500000x128xf32, #tpu.memory_space<hbm>>
      tpu.enqueue_indirect_dma source(%dma_start3A_111 : memref<500000x128xf32, #tpu.memory_space<hbm>>) target(%dma_start3A_105 : memref<128x128xf32, #tpu.memory_space<vmem>>) offsets(%dma_start3A_108 : memref<128xi32, #tpu.memory_space<vmem>>) semaphore(%arg7 : memref<!tpu.dma_semaphore, #tpu.memory_space<semaphore_mem>>)
      %dma_wait3A_112 = arith.constant 1 : i32
      %dma_wait3A_113 = arith.constant 0 : i32
      %dma_wait3A_114 = arith.constant 0 : i32
      %dma_wait3A_115 = tpu.memref_slice %arg6[%dma_wait3A_112, %dma_wait3A_113, %dma_wait3A_114] : memref<2x128x128xf32, #tpu.memory_space<vmem>> -> memref<1x128x128xf32, #tpu.memory_space<vmem>>
      %dma_wait3A_116 = tpu.memref_squeeze %dma_wait3A_115 : memref<1x128x128xf32, #tpu.memory_space<vmem>> -> memref<128x128xf32, #tpu.memory_space<vmem>>
      %dma_wait3A_117 = arith.constant 0 : i32
      %dma_wait3A_118 = tpu.memref_slice %arg5[%add3A_95, %dma_wait3A_117] : memref<50x128xi32, #tpu.memory_space<vmem>> -> memref<1x128xi32, #tpu.memory_space<vmem>>
      %dma_wait3A_119 = tpu.memref_squeeze %dma_wait3A_118 : memref<1x128xi32, #tpu.memory_space<vmem>> -> memref<128xi32, #tpu.memory_space<vmem>>
      %dma_wait3A_120 = arith.constant 0 : i32
      %dma_wait3A_121 = arith.constant 0 : i32
      %dma_wait3A_122 = tpu.memref_slice %arg3[%dma_wait3A_120, %dma_wait3A_121] : memref<500000x128xf32, #tpu.memory_space<hbm>> -> memref<500000x128xf32, #tpu.memory_space<hbm>>
      tpu.wait_indirect_dma semaphore(%arg7 : memref<!tpu.dma_semaphore, #tpu.memory_space<semaphore_mem>>) src(%dma_wait3A_122 : memref<500000x128xf32, #tpu.memory_space<hbm>>) dst(%dma_wait3A_116 : memref<128x128xf32, #tpu.memory_space<vmem>>)
      %add3A_123 = arith.addi %mul3A_2, %add3A_95 : i32
      %mul3A_124 = arith.constant 128 : i32
      %mul3A_125 = arith.muli %add3A_123, %mul3A_124 : i32
      %dma_start3A_126 = arith.constant 1 : i32
      %dma_start3A_127 = arith.constant 0 : i32
      %dma_start3A_128 = arith.constant 0 : i32
      %dma_start3A_129 = tpu.memref_slice %arg6[%dma_start3A_126, %dma_start3A_127, %dma_start3A_128] : memref<2x128x128xf32, #tpu.memory_space<vmem>> -> memref<1x128x128xf32, #tpu.memory_space<vmem>>
      %dma_start3A_130 = tpu.memref_squeeze %dma_start3A_129 : memref<1x128x128xf32, #tpu.memory_space<vmem>> -> memref<128x128xf32, #tpu.memory_space<vmem>>
      %dma_start3A_131 = arith.constant 0 : i32
      %dma_start3A_132 = tpu.memref_slice %arg4[%mul3A_125, %dma_start3A_131] : memref<204800x128xf32, #tpu.memory_space<hbm>> -> memref<128x128xf32, #tpu.memory_space<hbm>>
      %dma_start3A_133 = arith.constant 0 : i32
      %dma_start3A_134 = tpu.memref_slice %arg4[%mul3A_125, %dma_start3A_133] : memref<204800x128xf32, #tpu.memory_space<hbm>> -> memref<128x128xf32, #tpu.memory_space<hbm>>
      %dma_start3A_135 = arith.constant 0 : i32
      %dma_start3A_136 = arith.constant 0 : i32
      %dma_start3A_137 = tpu.memref_slice %arg6[%dma_start3A_126, %dma_start3A_135, %dma_start3A_136] : memref<2x128x128xf32, #tpu.memory_space<vmem>> -> memref<1x128x128xf32, #tpu.memory_space<vmem>>
      %dma_start3A_138 = tpu.memref_squeeze %dma_start3A_137 : memref<1x128x128xf32, #tpu.memory_space<vmem>> -> memref<128x128xf32, #tpu.memory_space<vmem>>
      tpu.enqueue_dma source(%dma_start3A_138 : memref<128x128xf32, #tpu.memory_space<vmem>>) target(%dma_start3A_134 : memref<128x128xf32, #tpu.memory_space<hbm>>) target_semaphore(%arg8 : memref<!tpu.dma_semaphore, #tpu.memory_space<semaphore_mem>>)
    }
    %scan3A_7 = arith.constant 25 : i32
    %add3A_8 = arith.constant 50 : i32
    %add3A_9 = arith.addi %mul3A_2, %add3A_8 : i32
    %sub3A = arith.constant 2 : i32
    %sub3A_10 = arith.subi %add3A_9, %sub3A : i32
    %add3A_11 = arith.constant 0 : i32
    %add3A_12 = arith.addi %sub3A_10, %add3A_11 : i32
    %mul3A_13 = arith.constant 128 : i32
    %mul3A_14 = arith.muli %add3A_12, %mul3A_13 : i32
    %dma_wait3A = arith.constant 0 : i32
    %dma_wait3A_15 = arith.constant 0 : i32
    %dma_wait3A_16 = arith.constant 0 : i32
    %dma_wait3A_17 = tpu.memref_slice %arg6[%dma_wait3A, %dma_wait3A_15, %dma_wait3A_16] : memref<2x128x128xf32, #tpu.memory_space<vmem>> -> memref<1x128x128xf32, #tpu.memory_space<vmem>>
    %dma_wait3A_18 = tpu.memref_squeeze %dma_wait3A_17 : memref<1x128x128xf32, #tpu.memory_space<vmem>> -> memref<128x128xf32, #tpu.memory_space<vmem>>
    %dma_wait3A_19 = arith.constant 0 : i32
    %dma_wait3A_20 = tpu.memref_slice %arg4[%mul3A_14, %dma_wait3A_19] : memref<204800x128xf32, #tpu.memory_space<hbm>> -> memref<128x128xf32, #tpu.memory_space<hbm>>
    %dma_wait3A_21 = arith.constant 0 : i32
    %dma_wait3A_22 = tpu.memref_slice %arg4[%mul3A_14, %dma_wait3A_21] : memref<204800x128xf32, #tpu.memory_space<hbm>> -> memref<128x128xf32, #tpu.memory_space<hbm>>
    %dma_wait3A_23 = arith.constant 0 : i32
    %dma_wait3A_24 = arith.constant 0 : i32
    %dma_wait3A_25 = tpu.memref_slice %arg6[%dma_wait3A, %dma_wait3A_23, %dma_wait3A_24] : memref<2x128x128xf32, #tpu.memory_space<vmem>> -> memref<1x128x128xf32, #tpu.memory_space<vmem>>
    %dma_wait3A_26 = tpu.memref_squeeze %dma_wait3A_25 : memref<1x128x128xf32, #tpu.memory_space<vmem>> -> memref<128x128xf32, #tpu.memory_space<vmem>>
    tpu.wait_dma2 semaphore(%arg8 : memref<!tpu.dma_semaphore, #tpu.memory_space<semaphore_mem>>) src(%dma_wait3A_26 : memref<128x128xf32, #tpu.memory_space<vmem>>) dst(%dma_wait3A_22 : memref<128x128xf32, #tpu.memory_space<hbm>>)
    %add3A_27 = arith.constant 50 : i32
    %add3A_28 = arith.addi %mul3A_2, %add3A_27 : i32
    %sub3A_29 = arith.constant 2 : i32
    %sub3A_30 = arith.subi %add3A_28, %sub3A_29 : i32
    %add3A_31 = arith.constant 1 : i32
    %add3A_32 = arith.addi %sub3A_30, %add3A_31 : i32
    %mul3A_33 = arith.constant 128 : i32
    %mul3A_34 = arith.muli %add3A_32, %mul3A_33 : i32
    %dma_wait3A_35 = arith.constant 1 : i32
    %dma_wait3A_36 = arith.constant 0 : i32
    %dma_wait3A_37 = arith.constant 0 : i32
    %dma_wait3A_38 = tpu.memref_slice %arg6[%dma_wait3A_35, %dma_wait3A_36, %dma_wait3A_37] : memref<2x128x128xf32, #tpu.memory_space<vmem>> -> memref<1x128x128xf32, #tpu.memory_space<vmem>>
    %dma_wait3A_39 = tpu.memref_squeeze %dma_wait3A_38 : memref<1x128x128xf32, #tpu.memory_space<vmem>> -> memref<128x128xf32, #tpu.memory_space<vmem>>
    %dma_wait3A_40 = arith.constant 0 : i32
    %dma_wait3A_41 = tpu.memref_slice %arg4[%mul3A_34, %dma_wait3A_40] : memref<204800x128xf32, #tpu.memory_space<hbm>> -> memref<128x128xf32, #tpu.memory_space<hbm>>
    %dma_wait3A_42 = arith.constant 0 : i32
    %dma_wait3A_43 = tpu.memref_slice %arg4[%mul3A_34, %dma_wait3A_42] : memref<204800x128xf32, #tpu.memory_space<hbm>> -> memref<128x128xf32, #tpu.memory_space<hbm>>
    %dma_wait3A_44 = arith.constant 0 : i32
    %dma_wait3A_45 = arith.constant 0 : i32
    %dma_wait3A_46 = tpu.memref_slice %arg6[%dma_wait3A_35, %dma_wait3A_44, %dma_wait3A_45] : memref<2x128x128xf32, #tpu.memory_space<vmem>> -> memref<1x128x128xf32, #tpu.memory_space<vmem>>
    %dma_wait3A_47 = tpu.memref_squeeze %dma_wait3A_46 : memref<1x128x128xf32, #tpu.memory_space<vmem>> -> memref<128x128xf32, #tpu.memory_space<vmem>>
    tpu.wait_dma2 semaphore(%arg8 : memref<!tpu.dma_semaphore, #tpu.memory_space<semaphore_mem>>) src(%dma_wait3A_47 : memref<128x128xf32, #tpu.memory_space<vmem>>) dst(%dma_wait3A_43 : memref<128x128xf32, #tpu.memory_space<hbm>>)
    return
  }
}

module attributes {stable_mosaic.version = 14 : i64} {
  func.func @_stage0_body(%arg0: i32, %arg1: memref<200x1024xi32, #tpu.memory_space<vmem>>, %arg2: memref<200x1024xi32, #tpu.memory_space<vmem>>, %arg3: memref<1x1024xi32, #tpu.memory_space<vmem>>) attributes {dimension_semantics = [#tpu.dimension_semantics<arbitrary>], iteration_bounds = array<i64: 1>, scalar_prefetch = 0 : i64, scratch_operands = 0 : i64, tpu.core_type = #tpu.core_type<tc>, window_params = [{pipeline_mode = #tpu.pipeline_mode<synchronous>, transform_indices = @transform_0, window_bounds = array<i64: 200, 1024>}, {pipeline_mode = #tpu.pipeline_mode<synchronous>, transform_indices = @transform_1, window_bounds = array<i64: 200, 1024>}, {pipeline_mode = #tpu.pipeline_mode<synchronous>, transform_indices = @transform_2, window_bounds = array<i64: 1, 1024>}]} {
    %get3A = arith.constant 0 : index
    %get3A_0 = arith.constant 0 : index
    %get3A_1 = vector.load %arg1[%get3A, %get3A_0] : memref<200x1024xi32, #tpu.memory_space<vmem>>, vector<200x1024xi32>
    %eq3A = arith.constant 12975 : i32
    %eq3A_2 = vector.broadcast %eq3A : i32 to vector<200x1024xi32>
    %eq3A_3 = arith.cmpi eq, %get3A_1, %eq3A_2 : vector<200x1024xi32>
    %convert_element_type3A = arith.extui %eq3A_3 : vector<200x1024xi1> to vector<200x1024xi32>
    %swap3A = arith.constant 0 : index
    %swap3A_4 = arith.constant 0 : index
    %swap3A_5 = vector.load %arg2[%swap3A, %swap3A_4] : memref<200x1024xi32, #tpu.memory_space<vmem>>, vector<200x1024xi32>
    tpu.vector_store %arg2[%swap3A, %swap3A_4], %convert_element_type3A {strides = array<i32>} : memref<200x1024xi32, #tpu.memory_space<vmem>>, vector<200x1024xi32>,
    %iota3A = tpu.iota {dimensions = array<i32: 0>} : vector<200x1024xi32>
    %jit3A = arith.constant 199 : i32
    %broadcast_in_dim3A = vector.broadcast %jit3A : i32 to vector<200x1024xi32>
    %select_n3A = arith.select %eq3A_3, %iota3A, %broadcast_in_dim3A : vector<200x1024xi1>, vector<200x1024xi32>
    %reduce_min3A = arith.constant dense<2147483647> : vector<1024xi32>
    %reduce_min3A_6 = vector.multi_reduction <minsi>, %select_n3A, %reduce_min3A [0] : vector<200x1024xi32> to vector<1024xi32>
    %broadcast_in_dim3A_7 = vector.shape_cast %reduce_min3A_6 : vector<1024xi32> to vector<1x1024xi32>
    %swap3A_8 = arith.constant 0 : index
    %swap3A_9 = arith.constant 0 : index
    %swap3A_10 = vector.load %arg3[%swap3A_8, %swap3A_9] : memref<1x1024xi32, #tpu.memory_space<vmem>>, vector<1x1024xi32>
    tpu.vector_store %arg3[%swap3A_8, %swap3A_9], %broadcast_in_dim3A_7 {strides = array<i32>} : memref<1x1024xi32, #tpu.memory_space<vmem>>, vector<1x1024xi32>,
    return
  }
  func.func @transform_0(%arg0: i32) -> (i32, i32) {
    %c0_i32 = arith.constant 0 : i32
    %c0_i32_0 = arith.constant 0 : i32
    %c0_i32_1 = arith.constant 0 : i32
    return %c0_i32, %c0_i32_0 : i32, i32
  }
  func.func @transform_1(%arg0: i32) -> (i32, i32) {
    %c0_i32 = arith.constant 0 : i32
    %c0_i32_0 = arith.constant 0 : i32
    %c0_i32_1 = arith.constant 0 : i32
    return %c0_i32, %c0_i32_0 : i32, i32
  }
  func.func @transform_2(%arg0: i32) -> (i32, i32) {
    %c0_i32 = arith.constant 0 : i32
    %c0_i32_0 = arith.constant 0 : i32
    %c0_i32_1 = arith.constant 0 : i32
    return %c0_i32, %c0_i32_0 : i32, i32
  }
}

module attributes {stable_mosaic.version = 14 : i64} {
  func.func @_mask_body(%arg0: i32, %arg1: memref<200x1024xi32, #tpu.memory_space<vmem>>, %arg2: memref<1x1024xi32, #tpu.memory_space<vmem>>, %arg3: memref<8x200x1024xi8, #tpu.memory_space<vmem>>) attributes {dimension_semantics = [#tpu.dimension_semantics<arbitrary>], iteration_bounds = array<i64: 25>, scalar_prefetch = 0 : i64, scratch_operands = 0 : i64, tpu.core_type = #tpu.core_type<tc>, window_params = [{pipeline_mode = #tpu.pipeline_mode<synchronous>, transform_indices = @transform_0, window_bounds = array<i64: 200, 1024>}, {pipeline_mode = #tpu.pipeline_mode<synchronous>, transform_indices = @transform_1, window_bounds = array<i64: 1, 1024>}, {transform_indices = @transform_2, window_bounds = array<i64: 8, 200, 1024>}]} {
    %mul3A = arith.constant 8 : i32
    %mul3A_0 = arith.muli %arg0, %mul3A : i32
    %get3A = arith.constant 0 : index
    %get3A_1 = arith.constant 0 : index
    %get3A_2 = vector.load %arg2[%get3A, %get3A_1] : memref<1x1024xi32, #tpu.memory_space<vmem>>, vector<1x1024xi32>
    %iota3A = tpu.iota {dimensions = array<i32: 0>} : vector<8x1x1024xi32>
    %add3A = vector.broadcast %mul3A_0 : i32 to vector<8x1x1024xi32>
    %add3A_3 = arith.addi %iota3A, %add3A : vector<8x1x1024xi32>
    %broadcast_in_dim3A = vector.shape_cast %get3A_2 : vector<1x1024xi32> to vector<1x1x1024xi32>
    %ge3A = vector.broadcast %broadcast_in_dim3A : vector<1x1x1024xi32> to vector<8x1x1024xi32>
    %ge3A_4 = arith.cmpi sge, %add3A_3, %ge3A : vector<8x1x1024xi32>
    %convert_element_type3A = arith.extui %ge3A_4 : vector<8x1x1024xi1> to vector<8x1x1024xi32>
    %get3A_5 = arith.constant 0 : index
    %get3A_6 = arith.constant 0 : index
    %get3A_7 = vector.load %arg1[%get3A_5, %get3A_6] : memref<200x1024xi32, #tpu.memory_space<vmem>>, vector<200x1024xi32>
    %broadcast_in_dim3A_8 = vector.shape_cast %get3A_7 : vector<200x1024xi32> to vector<1x200x1024xi32>
    %or3A = vector.broadcast %broadcast_in_dim3A_8 : vector<1x200x1024xi32> to vector<8x200x1024xi32>
    %or3A_9 = vector.broadcast %convert_element_type3A : vector<8x1x1024xi32> to vector<8x200x1024xi32>
    %or3A_10 = arith.ori %or3A, %or3A_9 : vector<8x200x1024xi32>
    %convert_element_type3A_11 = arith.trunci %or3A_10 : vector<8x200x1024xi32> to vector<8x200x1024xi8>
    %swap3A = arith.constant 0 : index
    %swap3A_12 = arith.constant 0 : index
    %swap3A_13 = arith.constant 0 : index
    %swap3A_14 = vector.load %arg3[%swap3A, %swap3A_12, %swap3A_13] : memref<8x200x1024xi8, #tpu.memory_space<vmem>>, vector<8x200x1024xi8>
    tpu.vector_store %arg3[%swap3A, %swap3A_12, %swap3A_13], %convert_element_type3A_11 {strides = array<i32>} : memref<8x200x1024xi8, #tpu.memory_space<vmem>>, vector<8x200x1024xi8>,
    return
  }
  func.func @transform_0(%arg0: i32) -> (i32, i32) {
    %c0_i32 = arith.constant 0 : i32
    %c0_i32_0 = arith.constant 0 : i32
    %c0_i32_1 = arith.constant 0 : i32
    return %c0_i32, %c0_i32_0 : i32, i32
  }
  func.func @transform_1(%arg0: i32) -> (i32, i32) {
    %c0_i32 = arith.constant 0 : i32
    %c0_i32_0 = arith.constant 0 : i32
    %c0_i32_1 = arith.constant 0 : i32
    return %c0_i32, %c0_i32_0 : i32, i32
  }
  func.func @transform_2(%arg0: i32) -> (i32, i32, i32) {
    %c0_i32 = arith.constant 0 : i32
    %c0_i32_0 = arith.constant 0 : i32
    %c0_i32_1 = arith.constant 0 : i32
    return %arg0, %c0_i32, %c0_i32_0 : i32, i32, i32
  }
}

module attributes {stable_mosaic.version = 14 : i64} {
  func.func @_yfin_body(%arg0: i32, %arg1: memref<8192x128xf32, #tpu.memory_space<vmem>>, %arg2: memref<8x1024xi32, #tpu.memory_space<vmem>>, %arg3: memref<64x200xf32, #tpu.memory_space<vmem>>, %arg4: memref<8x64x1024xf32, #tpu.memory_space<vmem>>) attributes {dimension_semantics = [#tpu.dimension_semantics<arbitrary>], iteration_bounds = array<i64: 25>, scalar_prefetch = 0 : i64, scratch_operands = 0 : i64, tpu.core_type = #tpu.core_type<tc>, window_params = [{transform_indices = @transform_0, window_bounds = array<i64: 8192, 128>}, {transform_indices = @transform_1, window_bounds = array<i64: 8, 1024>}, {pipeline_mode = #tpu.pipeline_mode<synchronous>, transform_indices = @transform_2, window_bounds = array<i64: 64, 200>}, {transform_indices = @transform_3, window_bounds = array<i64: 8, 64, 1024>}]} {
    %get3A = arith.constant 0 : index
    %get3A_0 = arith.constant 0 : index
    %get3A_1 = vector.load %arg1[%get3A, %get3A_0] : memref<8192x128xf32, #tpu.memory_space<vmem>>, vector<1024x128xf32>
    %get3A_2 = arith.constant 0 : index
    %get3A_3 = arith.constant 0 : index
    %get3A_4 = vector.load %arg2[%get3A_2, %get3A_3] : memref<8x1024xi32, #tpu.memory_space<vmem>>, vector<1x1024xi32>
    %and3A = arith.constant 1 : i32
    %and3A_5 = vector.broadcast %and3A : i32 to vector<1x1024xi32>
    %and3A_6 = arith.andi %get3A_4, %and3A_5 : vector<1x1024xi32>
    %eq3A = arith.constant 1 : i32
    %eq3A_7 = vector.broadcast %eq3A : i32 to vector<1x1024xi32>
    %eq3A_8 = arith.cmpi eq, %and3A_6, %eq3A_7 : vector<1x1024xi32>
    %slice3A = vector.extract_strided_slice %get3A_1 {offsets = [0, 64], sizes = [1024, 64], strides = [1, 1]} : vector<1024x128xf32> to vector<1024x64xf32>
    %transpose3A = tpu.transpose %slice3A, [1, 0] : vector<1024x64xf32> -> vector<64x1024xf32>
    %slice3A_9 = vector.extract_strided_slice %get3A_1 {offsets = [0, 0], sizes = [1024, 64], strides = [1, 1]} : vector<1024x128xf32> to vector<1024x64xf32>
    %transpose3A_10 = tpu.transpose %slice3A_9, [1, 0] : vector<1024x64xf32> -> vector<64x1024xf32>
    %broadcast_in_dim3A = vector.shape_cast %eq3A_8 : vector<1x1024xi1> to vector<1x1024xi1>
    %broadcast_in_dim3A_11 = vector.broadcast %broadcast_in_dim3A : vector<1x1024xi1> to vector<64x1024xi1>
    %select_n3A = arith.select %broadcast_in_dim3A_11, %transpose3A, %transpose3A_10 : vector<64x1024xi1>, vector<64x1024xf32>
    %iota3A = tpu.iota {dimensions = array<i32: 0>} : vector<200x1xi32>
    %mul3A = arith.constant 8 : i32
    %mul3A_12 = arith.muli %arg0, %mul3A : i32
    %add3A = arith.constant 0 : i32
    %add3A_13 = arith.addi %mul3A_12, %add3A : i32
    %eq3A_14 = vector.broadcast %add3A_13 : i32 to vector<200x1xi32>
    %eq3A_15 = arith.cmpi eq, %iota3A, %eq3A_14 : vector<200x1xi32>
    %convert_element_type3A = arith.extui %eq3A_15 : vector<200x1xi1> to vector<200x1xi32>
    %convert_element_type3A_16 = arith.sitofp %convert_element_type3A : vector<200x1xi32> to vector<200x1xf32>
    %get3A_17 = arith.constant 0 : index
    %get3A_18 = arith.constant 0 : index
    %get3A_19 = vector.load %arg3[%get3A_17, %get3A_18] : memref<64x200xf32, #tpu.memory_space<vmem>>, vector<64x200xf32>
    %dot_general3A = arith.constant dense<0.000000e+00> : vector<64x1xf32>
    %dot_general3A_20 = tpu.matmul %get3A_19, %convert_element_type3A_16, %dot_general3A {dimension_numbers = #tpu.dot_dimension_numbers<[1], [0], [0], [1], [0, 0, 1, 1], [], []>, precision = #tpu.contract_precision<fp32>, transpose_lhs_hint = false} : vector<64x200xf32>, vector<200x1xf32>, vector<64x1xf32> -> vector<64x1xf32>
    %add3A_21 = vector.broadcast %dot_general3A_20 : vector<64x1xf32> to vector<64x1024xf32>
    %add3A_22 = arith.addf %select_n3A, %add3A_21 : vector<64x1024xf32>
    %swap3A = arith.constant 0 : index
    %swap3A_23 = arith.constant 0 : index
    %swap3A_24 = arith.constant 0 : index
    %swap3A_25 = vector.load %arg4[%swap3A, %swap3A_23, %swap3A_24] : memref<8x64x1024xf32, #tpu.memory_space<vmem>>, vector<1x64x1024xf32>
    %swap3A_26 = vector.shape_cast %swap3A_25 : vector<1x64x1024xf32> to vector<64x1024xf32>
    %swap3A_27 = vector.shape_cast %add3A_22 : vector<64x1024xf32> to vector<1x64x1024xf32>
    tpu.vector_store %arg4[%swap3A, %swap3A_23, %swap3A_24], %swap3A_27 {strides = array<i32>} : memref<8x64x1024xf32, #tpu.memory_space<vmem>>, vector<1x64x1024xf32>,
    %get3A_28 = arith.constant 1024 : index
    %get3A_29 = arith.constant 0 : index
    %get3A_30 = vector.load %arg1[%get3A_28, %get3A_29] : memref<8192x128xf32, #tpu.memory_space<vmem>>, vector<1024x128xf32>
    %get3A_31 = arith.constant 1 : index
    %get3A_32 = arith.constant 0 : index
    %get3A_33 = vector.load %arg2[%get3A_31, %get3A_32] : memref<8x1024xi32, #tpu.memory_space<vmem>>, vector<1x1024xi32>
    %and3A_34 = arith.constant 1 : i32
    %and3A_35 = vector.broadcast %and3A_34 : i32 to vector<1x1024xi32>
    %and3A_36 = arith.andi %get3A_33, %and3A_35 : vector<1x1024xi32>
    %eq3A_37 = arith.constant 1 : i32
    %eq3A_38 = vector.broadcast %eq3A_37 : i32 to vector<1x1024xi32>
    %eq3A_39 = arith.cmpi eq, %and3A_36, %eq3A_38 : vector<1x1024xi32>
    %slice3A_40 = vector.extract_strided_slice %get3A_30 {offsets = [0, 64], sizes = [1024, 64], strides = [1, 1]} : vector<1024x128xf32> to vector<1024x64xf32>
    %transpose3A_41 = tpu.transpose %slice3A_40, [1, 0] : vector<1024x64xf32> -> vector<64x1024xf32>
    %slice3A_42 = vector.extract_strided_slice %get3A_30 {offsets = [0, 0], sizes = [1024, 64], strides = [1, 1]} : vector<1024x128xf32> to vector<1024x64xf32>
    %transpose3A_43 = tpu.transpose %slice3A_42, [1, 0] : vector<1024x64xf32> -> vector<64x1024xf32>
    %broadcast_in_dim3A_44 = vector.shape_cast %eq3A_39 : vector<1x1024xi1> to vector<1x1024xi1>
    %broadcast_in_dim3A_45 = vector.broadcast %broadcast_in_dim3A_44 : vector<1x1024xi1> to vector<64x1024xi1>
    %select_n3A_46 = arith.select %broadcast_in_dim3A_45, %transpose3A_41, %transpose3A_43 : vector<64x1024xi1>, vector<64x1024xf32>
    %iota3A_47 = tpu.iota {dimensions = array<i32: 0>} : vector<200x1xi32>
    %mul3A_48 = arith.constant 8 : i32
    %mul3A_49 = arith.muli %arg0, %mul3A_48 : i32
    %add3A_50 = arith.constant 1 : i32
    %add3A_51 = arith.addi %mul3A_49, %add3A_50 : i32
    %eq3A_52 = vector.broadcast %add3A_51 : i32 to vector<200x1xi32>
    %eq3A_53 = arith.cmpi eq, %iota3A_47, %eq3A_52 : vector<200x1xi32>
    %convert_element_type3A_54 = arith.extui %eq3A_53 : vector<200x1xi1> to vector<200x1xi32>
    %convert_element_type3A_55 = arith.sitofp %convert_element_type3A_54 : vector<200x1xi32> to vector<200x1xf32>
    %get3A_56 = arith.constant 0 : index
    %get3A_57 = arith.constant 0 : index
    %get3A_58 = vector.load %arg3[%get3A_56, %get3A_57] : memref<64x200xf32, #tpu.memory_space<vmem>>, vector<64x200xf32>
    %dot_general3A_59 = arith.constant dense<0.000000e+00> : vector<64x1xf32>
    %dot_general3A_60 = tpu.matmul %get3A_58, %convert_element_type3A_55, %dot_general3A_59 {dimension_numbers = #tpu.dot_dimension_numbers<[1], [0], [0], [1], [0, 0, 1, 1], [], []>, precision = #tpu.contract_precision<fp32>, transpose_lhs_hint = false} : vector<64x200xf32>, vector<200x1xf32>, vector<64x1xf32> -> vector<64x1xf32>
    %add3A_61 = vector.broadcast %dot_general3A_60 : vector<64x1xf32> to vector<64x1024xf32>
    %add3A_62 = arith.addf %select_n3A_46, %add3A_61 : vector<64x1024xf32>
    %swap3A_63 = arith.constant 1 : index
    %swap3A_64 = arith.constant 0 : index
    %swap3A_65 = arith.constant 0 : index
    %swap3A_66 = vector.load %arg4[%swap3A_63, %swap3A_64, %swap3A_65] : memref<8x64x1024xf32, #tpu.memory_space<vmem>>, vector<1x64x1024xf32>
    %swap3A_67 = vector.shape_cast %swap3A_66 : vector<1x64x1024xf32> to vector<64x1024xf32>
    %swap3A_68 = vector.shape_cast %add3A_62 : vector<64x1024xf32> to vector<1x64x1024xf32>
    tpu.vector_store %arg4[%swap3A_63, %swap3A_64, %swap3A_65], %swap3A_68 {strides = array<i32>} : memref<8x64x1024xf32, #tpu.memory_space<vmem>>, vector<1x64x1024xf32>,
    %get3A_69 = arith.constant 2048 : index
    %get3A_70 = arith.constant 0 : index
    %get3A_71 = vector.load %arg1[%get3A_69, %get3A_70] : memref<8192x128xf32, #tpu.memory_space<vmem>>, vector<1024x128xf32>
    %get3A_72 = arith.constant 2 : index
    %get3A_73 = arith.constant 0 : index
    %get3A_74 = vector.load %arg2[%get3A_72, %get3A_73] : memref<8x1024xi32, #tpu.memory_space<vmem>>, vector<1x1024xi32>
    %and3A_75 = arith.constant 1 : i32
    %and3A_76 = vector.broadcast %and3A_75 : i32 to vector<1x1024xi32>
    %and3A_77 = arith.andi %get3A_74, %and3A_76 : vector<1x1024xi32>
    %eq3A_78 = arith.constant 1 : i32
    %eq3A_79 = vector.broadcast %eq3A_78 : i32 to vector<1x1024xi32>
    %eq3A_80 = arith.cmpi eq, %and3A_77, %eq3A_79 : vector<1x1024xi32>
    %slice3A_81 = vector.extract_strided_slice %get3A_71 {offsets = [0, 64], sizes = [1024, 64], strides = [1, 1]} : vector<1024x128xf32> to vector<1024x64xf32>
    %transpose3A_82 = tpu.transpose %slice3A_81, [1, 0] : vector<1024x64xf32> -> vector<64x1024xf32>
    %slice3A_83 = vector.extract_strided_slice %get3A_71 {offsets = [0, 0], sizes = [1024, 64], strides = [1, 1]} : vector<1024x128xf32> to vector<1024x64xf32>
    %transpose3A_84 = tpu.transpose %slice3A_83, [1, 0] : vector<1024x64xf32> -> vector<64x1024xf32>
    %broadcast_in_dim3A_85 = vector.shape_cast %eq3A_80 : vector<1x1024xi1> to vector<1x1024xi1>
    %broadcast_in_dim3A_86 = vector.broadcast %broadcast_in_dim3A_85 : vector<1x1024xi1> to vector<64x1024xi1>
    %select_n3A_87 = arith.select %broadcast_in_dim3A_86, %transpose3A_82, %transpose3A_84 : vector<64x1024xi1>, vector<64x1024xf32>
    %iota3A_88 = tpu.iota {dimensions = array<i32: 0>} : vector<200x1xi32>
    %mul3A_89 = arith.constant 8 : i32
    %mul3A_90 = arith.muli %arg0, %mul3A_89 : i32
    %add3A_91 = arith.constant 2 : i32
    %add3A_92 = arith.addi %mul3A_90, %add3A_91 : i32
    %eq3A_93 = vector.broadcast %add3A_92 : i32 to vector<200x1xi32>
    %eq3A_94 = arith.cmpi eq, %iota3A_88, %eq3A_93 : vector<200x1xi32>
    %convert_element_type3A_95 = arith.extui %eq3A_94 : vector<200x1xi1> to vector<200x1xi32>
    %convert_element_type3A_96 = arith.sitofp %convert_element_type3A_95 : vector<200x1xi32> to vector<200x1xf32>
    %get3A_97 = arith.constant 0 : index
    %get3A_98 = arith.constant 0 : index
    %get3A_99 = vector.load %arg3[%get3A_97, %get3A_98] : memref<64x200xf32, #tpu.memory_space<vmem>>, vector<64x200xf32>
    %dot_general3A_100 = arith.constant dense<0.000000e+00> : vector<64x1xf32>
    %dot_general3A_101 = tpu.matmul %get3A_99, %convert_element_type3A_96, %dot_general3A_100 {dimension_numbers = #tpu.dot_dimension_numbers<[1], [0], [0], [1], [0, 0, 1, 1], [], []>, precision = #tpu.contract_precision<fp32>, transpose_lhs_hint = false} : vector<64x200xf32>, vector<200x1xf32>, vector<64x1xf32> -> vector<64x1xf32>
    %add3A_102 = vector.broadcast %dot_general3A_101 : vector<64x1xf32> to vector<64x1024xf32>
    %add3A_103 = arith.addf %select_n3A_87, %add3A_102 : vector<64x1024xf32>
    %swap3A_104 = arith.constant 2 : index
    %swap3A_105 = arith.constant 0 : index
    %swap3A_106 = arith.constant 0 : index
    %swap3A_107 = vector.load %arg4[%swap3A_104, %swap3A_105, %swap3A_106] : memref<8x64x1024xf32, #tpu.memory_space<vmem>>, vector<1x64x1024xf32>
    %swap3A_108 = vector.shape_cast %swap3A_107 : vector<1x64x1024xf32> to vector<64x1024xf32>
    %swap3A_109 = vector.shape_cast %add3A_103 : vector<64x1024xf32> to vector<1x64x1024xf32>
    tpu.vector_store %arg4[%swap3A_104, %swap3A_105, %swap3A_106], %swap3A_109 {strides = array<i32>} : memref<8x64x1024xf32, #tpu.memory_space<vmem>>, vector<1x64x1024xf32>,
    %get3A_110 = arith.constant 3072 : index
    %get3A_111 = arith.constant 0 : index
    %get3A_112 = vector.load %arg1[%get3A_110, %get3A_111] : memref<8192x128xf32, #tpu.memory_space<vmem>>, vector<1024x128xf32>
    %get3A_113 = arith.constant 3 : index
    %get3A_114 = arith.constant 0 : index
    %get3A_115 = vector.load %arg2[%get3A_113, %get3A_114] : memref<8x1024xi32, #tpu.memory_space<vmem>>, vector<1x1024xi32>
    %and3A_116 = arith.constant 1 : i32
    %and3A_117 = vector.broadcast %and3A_116 : i32 to vector<1x1024xi32>
    %and3A_118 = arith.andi %get3A_115, %and3A_117 : vector<1x1024xi32>
    %eq3A_119 = arith.constant 1 : i32
    %eq3A_120 = vector.broadcast %eq3A_119 : i32 to vector<1x1024xi32>
    %eq3A_121 = arith.cmpi eq, %and3A_118, %eq3A_120 : vector<1x1024xi32>
    %slice3A_122 = vector.extract_strided_slice %get3A_112 {offsets = [0, 64], sizes = [1024, 64], strides = [1, 1]} : vector<1024x128xf32> to vector<1024x64xf32>
    %transpose3A_123 = tpu.transpose %slice3A_122, [1, 0] : vector<1024x64xf32> -> vector<64x1024xf32>
    %slice3A_124 = vector.extract_strided_slice %get3A_112 {offsets = [0, 0], sizes = [1024, 64], strides = [1, 1]} : vector<1024x128xf32> to vector<1024x64xf32>
    %transpose3A_125 = tpu.transpose %slice3A_124, [1, 0] : vector<1024x64xf32> -> vector<64x1024xf32>
    %broadcast_in_dim3A_126 = vector.shape_cast %eq3A_121 : vector<1x1024xi1> to vector<1x1024xi1>
    %broadcast_in_dim3A_127 = vector.broadcast %broadcast_in_dim3A_126 : vector<1x1024xi1> to vector<64x1024xi1>
    %select_n3A_128 = arith.select %broadcast_in_dim3A_127, %transpose3A_123, %transpose3A_125 : vector<64x1024xi1>, vector<64x1024xf32>
    %iota3A_129 = tpu.iota {dimensions = array<i32: 0>} : vector<200x1xi32>
    %mul3A_130 = arith.constant 8 : i32
    %mul3A_131 = arith.muli %arg0, %mul3A_130 : i32
    %add3A_132 = arith.constant 3 : i32
    %add3A_133 = arith.addi %mul3A_131, %add3A_132 : i32
    %eq3A_134 = vector.broadcast %add3A_133 : i32 to vector<200x1xi32>
    %eq3A_135 = arith.cmpi eq, %iota3A_129, %eq3A_134 : vector<200x1xi32>
    %convert_element_type3A_136 = arith.extui %eq3A_135 : vector<200x1xi1> to vector<200x1xi32>
    %convert_element_type3A_137 = arith.sitofp %convert_element_type3A_136 : vector<200x1xi32> to vector<200x1xf32>
    %get3A_138 = arith.constant 0 : index
    %get3A_139 = arith.constant 0 : index
    %get3A_140 = vector.load %arg3[%get3A_138, %get3A_139] : memref<64x200xf32, #tpu.memory_space<vmem>>, vector<64x200xf32>
    %dot_general3A_141 = arith.constant dense<0.000000e+00> : vector<64x1xf32>
    %dot_general3A_142 = tpu.matmul %get3A_140, %convert_element_type3A_137, %dot_general3A_141 {dimension_numbers = #tpu.dot_dimension_numbers<[1], [0], [0], [1], [0, 0, 1, 1], [], []>, precision = #tpu.contract_precision<fp32>, transpose_lhs_hint = false} : vector<64x200xf32>, vector<200x1xf32>, vector<64x1xf32> -> vector<64x1xf32>
    %add3A_143 = vector.broadcast %dot_general3A_142 : vector<64x1xf32> to vector<64x1024xf32>
    %add3A_144 = arith.addf %select_n3A_128, %add3A_143 : vector<64x1024xf32>
    %swap3A_145 = arith.constant 3 : index
    %swap3A_146 = arith.constant 0 : index
    %swap3A_147 = arith.constant 0 : index
    %swap3A_148 = vector.load %arg4[%swap3A_145, %swap3A_146, %swap3A_147] : memref<8x64x1024xf32, #tpu.memory_space<vmem>>, vector<1x64x1024xf32>
    %swap3A_149 = vector.shape_cast %swap3A_148 : vector<1x64x1024xf32> to vector<64x1024xf32>
    %swap3A_150 = vector.shape_cast %add3A_144 : vector<64x1024xf32> to vector<1x64x1024xf32>
    tpu.vector_store %arg4[%swap3A_145, %swap3A_146, %swap3A_147], %swap3A_150 {strides = array<i32>} : memref<8x64x1024xf32, #tpu.memory_space<vmem>>, vector<1x64x1024xf32>,
    %get3A_151 = arith.constant 4096 : index
    %get3A_152 = arith.constant 0 : index
    %get3A_153 = vector.load %arg1[%get3A_151, %get3A_152] : memref<8192x128xf32, #tpu.memory_space<vmem>>, vector<1024x128xf32>
    %get3A_154 = arith.constant 4 : index
    %get3A_155 = arith.constant 0 : index
    %get3A_156 = vector.load %arg2[%get3A_154, %get3A_155] : memref<8x1024xi32, #tpu.memory_space<vmem>>, vector<1x1024xi32>
    %and3A_157 = arith.constant 1 : i32
    %and3A_158 = vector.broadcast %and3A_157 : i32 to vector<1x1024xi32>
    %and3A_159 = arith.andi %get3A_156, %and3A_158 : vector<1x1024xi32>
    %eq3A_160 = arith.constant 1 : i32
    %eq3A_161 = vector.broadcast %eq3A_160 : i32 to vector<1x1024xi32>
    %eq3A_162 = arith.cmpi eq, %and3A_159, %eq3A_161 : vector<1x1024xi32>
    %slice3A_163 = vector.extract_strided_slice %get3A_153 {offsets = [0, 64], sizes = [1024, 64], strides = [1, 1]} : vector<1024x128xf32> to vector<1024x64xf32>
    %transpose3A_164 = tpu.transpose %slice3A_163, [1, 0] : vector<1024x64xf32> -> vector<64x1024xf32>
    %slice3A_165 = vector.extract_strided_slice %get3A_153 {offsets = [0, 0], sizes = [1024, 64], strides = [1, 1]} : vector<1024x128xf32> to vector<1024x64xf32>
    %transpose3A_166 = tpu.transpose %slice3A_165, [1, 0] : vector<1024x64xf32> -> vector<64x1024xf32>
    %broadcast_in_dim3A_167 = vector.shape_cast %eq3A_162 : vector<1x1024xi1> to vector<1x1024xi1>
    %broadcast_in_dim3A_168 = vector.broadcast %broadcast_in_dim3A_167 : vector<1x1024xi1> to vector<64x1024xi1>
    %select_n3A_169 = arith.select %broadcast_in_dim3A_168, %transpose3A_164, %transpose3A_166 : vector<64x1024xi1>, vector<64x1024xf32>
    %iota3A_170 = tpu.iota {dimensions = array<i32: 0>} : vector<200x1xi32>
    %mul3A_171 = arith.constant 8 : i32
    %mul3A_172 = arith.muli %arg0, %mul3A_171 : i32
    %add3A_173 = arith.constant 4 : i32
    %add3A_174 = arith.addi %mul3A_172, %add3A_173 : i32
    %eq3A_175 = vector.broadcast %add3A_174 : i32 to vector<200x1xi32>
    %eq3A_176 = arith.cmpi eq, %iota3A_170, %eq3A_175 : vector<200x1xi32>
    %convert_element_type3A_177 = arith.extui %eq3A_176 : vector<200x1xi1> to vector<200x1xi32>
    %convert_element_type3A_178 = arith.sitofp %convert_element_type3A_177 : vector<200x1xi32> to vector<200x1xf32>
    %get3A_179 = arith.constant 0 : index
    %get3A_180 = arith.constant 0 : index
    %get3A_181 = vector.load %arg3[%get3A_179, %get3A_180] : memref<64x200xf32, #tpu.memory_space<vmem>>, vector<64x200xf32>
    %dot_general3A_182 = arith.constant dense<0.000000e+00> : vector<64x1xf32>
    %dot_general3A_183 = tpu.matmul %get3A_181, %convert_element_type3A_178, %dot_general3A_182 {dimension_numbers = #tpu.dot_dimension_numbers<[1], [0], [0], [1], [0, 0, 1, 1], [], []>, precision = #tpu.contract_precision<fp32>, transpose_lhs_hint = false} : vector<64x200xf32>, vector<200x1xf32>, vector<64x1xf32> -> vector<64x1xf32>
    %add3A_184 = vector.broadcast %dot_general3A_183 : vector<64x1xf32> to vector<64x1024xf32>
    %add3A_185 = arith.addf %select_n3A_169, %add3A_184 : vector<64x1024xf32>
    %swap3A_186 = arith.constant 4 : index
    %swap3A_187 = arith.constant 0 : index
    %swap3A_188 = arith.constant 0 : index
    %swap3A_189 = vector.load %arg4[%swap3A_186, %swap3A_187, %swap3A_188] : memref<8x64x1024xf32, #tpu.memory_space<vmem>>, vector<1x64x1024xf32>
    %swap3A_190 = vector.shape_cast %swap3A_189 : vector<1x64x1024xf32> to vector<64x1024xf32>
    %swap3A_191 = vector.shape_cast %add3A_185 : vector<64x1024xf32> to vector<1x64x1024xf32>
    tpu.vector_store %arg4[%swap3A_186, %swap3A_187, %swap3A_188], %swap3A_191 {strides = array<i32>} : memref<8x64x1024xf32, #tpu.memory_space<vmem>>, vector<1x64x1024xf32>,
    %get3A_192 = arith.constant 5120 : index
    %get3A_193 = arith.constant 0 : index
    %get3A_194 = vector.load %arg1[%get3A_192, %get3A_193] : memref<8192x128xf32, #tpu.memory_space<vmem>>, vector<1024x128xf32>
    %get3A_195 = arith.constant 5 : index
    %get3A_196 = arith.constant 0 : index
    %get3A_197 = vector.load %arg2[%get3A_195, %get3A_196] : memref<8x1024xi32, #tpu.memory_space<vmem>>, vector<1x1024xi32>
    %and3A_198 = arith.constant 1 : i32
    %and3A_199 = vector.broadcast %and3A_198 : i32 to vector<1x1024xi32>
    %and3A_200 = arith.andi %get3A_197, %and3A_199 : vector<1x1024xi32>
    %eq3A_201 = arith.constant 1 : i32
    %eq3A_202 = vector.broadcast %eq3A_201 : i32 to vector<1x1024xi32>
    %eq3A_203 = arith.cmpi eq, %and3A_200, %eq3A_202 : vector<1x1024xi32>
    %slice3A_204 = vector.extract_strided_slice %get3A_194 {offsets = [0, 64], sizes = [1024, 64], strides = [1, 1]} : vector<1024x128xf32> to vector<1024x64xf32>
    %transpose3A_205 = tpu.transpose %slice3A_204, [1, 0] : vector<1024x64xf32> -> vector<64x1024xf32>
    %slice3A_206 = vector.extract_strided_slice %get3A_194 {offsets = [0, 0], sizes = [1024, 64], strides = [1, 1]} : vector<1024x128xf32> to vector<1024x64xf32>
    %transpose3A_207 = tpu.transpose %slice3A_206, [1, 0] : vector<1024x64xf32> -> vector<64x1024xf32>
    %broadcast_in_dim3A_208 = vector.shape_cast %eq3A_203 : vector<1x1024xi1> to vector<1x1024xi1>
    %broadcast_in_dim3A_209 = vector.broadcast %broadcast_in_dim3A_208 : vector<1x1024xi1> to vector<64x1024xi1>
    %select_n3A_210 = arith.select %broadcast_in_dim3A_209, %transpose3A_205, %transpose3A_207 : vector<64x1024xi1>, vector<64x1024xf32>
    %iota3A_211 = tpu.iota {dimensions = array<i32: 0>} : vector<200x1xi32>
    %mul3A_212 = arith.constant 8 : i32
    %mul3A_213 = arith.muli %arg0, %mul3A_212 : i32
    %add3A_214 = arith.constant 5 : i32
    %add3A_215 = arith.addi %mul3A_213, %add3A_214 : i32
    %eq3A_216 = vector.broadcast %add3A_215 : i32 to vector<200x1xi32>
    %eq3A_217 = arith.cmpi eq, %iota3A_211, %eq3A_216 : vector<200x1xi32>
    %convert_element_type3A_218 = arith.extui %eq3A_217 : vector<200x1xi1> to vector<200x1xi32>
    %convert_element_type3A_219 = arith.sitofp %convert_element_type3A_218 : vector<200x1xi32> to vector<200x1xf32>
    %get3A_220 = arith.constant 0 : index
    %get3A_221 = arith.constant 0 : index
    %get3A_222 = vector.load %arg3[%get3A_220, %get3A_221] : memref<64x200xf32, #tpu.memory_space<vmem>>, vector<64x200xf32>
    %dot_general3A_223 = arith.constant dense<0.000000e+00> : vector<64x1xf32>
    %dot_general3A_224 = tpu.matmul %get3A_222, %convert_element_type3A_219, %dot_general3A_223 {dimension_numbers = #tpu.dot_dimension_numbers<[1], [0], [0], [1], [0, 0, 1, 1], [], []>, precision = #tpu.contract_precision<fp32>, transpose_lhs_hint = false} : vector<64x200xf32>, vector<200x1xf32>, vector<64x1xf32> -> vector<64x1xf32>
    %add3A_225 = vector.broadcast %dot_general3A_224 : vector<64x1xf32> to vector<64x1024xf32>
    %add3A_226 = arith.addf %select_n3A_210, %add3A_225 : vector<64x1024xf32>
    %swap3A_227 = arith.constant 5 : index
    %swap3A_228 = arith.constant 0 : index
    %swap3A_229 = arith.constant 0 : index
    %swap3A_230 = vector.load %arg4[%swap3A_227, %swap3A_228, %swap3A_229] : memref<8x64x1024xf32, #tpu.memory_space<vmem>>, vector<1x64x1024xf32>
    %swap3A_231 = vector.shape_cast %swap3A_230 : vector<1x64x1024xf32> to vector<64x1024xf32>
    %swap3A_232 = vector.shape_cast %add3A_226 : vector<64x1024xf32> to vector<1x64x1024xf32>
    tpu.vector_store %arg4[%swap3A_227, %swap3A_228, %swap3A_229], %swap3A_232 {strides = array<i32>} : memref<8x64x1024xf32, #tpu.memory_space<vmem>>, vector<1x64x1024xf32>,
    %get3A_233 = arith.constant 6144 : index
    %get3A_234 = arith.constant 0 : index
    %get3A_235 = vector.load %arg1[%get3A_233, %get3A_234] : memref<8192x128xf32, #tpu.memory_space<vmem>>, vector<1024x128xf32>
    %get3A_236 = arith.constant 6 : index
    %get3A_237 = arith.constant 0 : index
    %get3A_238 = vector.load %arg2[%get3A_236, %get3A_237] : memref<8x1024xi32, #tpu.memory_space<vmem>>, vector<1x1024xi32>
    %and3A_239 = arith.constant 1 : i32
    %and3A_240 = vector.broadcast %and3A_239 : i32 to vector<1x1024xi32>
    %and3A_241 = arith.andi %get3A_238, %and3A_240 : vector<1x1024xi32>
    %eq3A_242 = arith.constant 1 : i32
    %eq3A_243 = vector.broadcast %eq3A_242 : i32 to vector<1x1024xi32>
    %eq3A_244 = arith.cmpi eq, %and3A_241, %eq3A_243 : vector<1x1024xi32>
    %slice3A_245 = vector.extract_strided_slice %get3A_235 {offsets = [0, 64], sizes = [1024, 64], strides = [1, 1]} : vector<1024x128xf32> to vector<1024x64xf32>
    %transpose3A_246 = tpu.transpose %slice3A_245, [1, 0] : vector<1024x64xf32> -> vector<64x1024xf32>
    %slice3A_247 = vector.extract_strided_slice %get3A_235 {offsets = [0, 0], sizes = [1024, 64], strides = [1, 1]} : vector<1024x128xf32> to vector<1024x64xf32>
    %transpose3A_248 = tpu.transpose %slice3A_247, [1, 0] : vector<1024x64xf32> -> vector<64x1024xf32>
    %broadcast_in_dim3A_249 = vector.shape_cast %eq3A_244 : vector<1x1024xi1> to vector<1x1024xi1>
    %broadcast_in_dim3A_250 = vector.broadcast %broadcast_in_dim3A_249 : vector<1x1024xi1> to vector<64x1024xi1>
    %select_n3A_251 = arith.select %broadcast_in_dim3A_250, %transpose3A_246, %transpose3A_248 : vector<64x1024xi1>, vector<64x1024xf32>
    %iota3A_252 = tpu.iota {dimensions = array<i32: 0>} : vector<200x1xi32>
    %mul3A_253 = arith.constant 8 : i32
    %mul3A_254 = arith.muli %arg0, %mul3A_253 : i32
    %add3A_255 = arith.constant 6 : i32
    %add3A_256 = arith.addi %mul3A_254, %add3A_255 : i32
    %eq3A_257 = vector.broadcast %add3A_256 : i32 to vector<200x1xi32>
    %eq3A_258 = arith.cmpi eq, %iota3A_252, %eq3A_257 : vector<200x1xi32>
    %convert_element_type3A_259 = arith.extui %eq3A_258 : vector<200x1xi1> to vector<200x1xi32>
    %convert_element_type3A_260 = arith.sitofp %convert_element_type3A_259 : vector<200x1xi32> to vector<200x1xf32>
    %get3A_261 = arith.constant 0 : index
    %get3A_262 = arith.constant 0 : index
    %get3A_263 = vector.load %arg3[%get3A_261, %get3A_262] : memref<64x200xf32, #tpu.memory_space<vmem>>, vector<64x200xf32>
    %dot_general3A_264 = arith.constant dense<0.000000e+00> : vector<64x1xf32>
    %dot_general3A_265 = tpu.matmul %get3A_263, %convert_element_type3A_260, %dot_general3A_264 {dimension_numbers = #tpu.dot_dimension_numbers<[1], [0], [0], [1], [0, 0, 1, 1], [], []>, precision = #tpu.contract_precision<fp32>, transpose_lhs_hint = false} : vector<64x200xf32>, vector<200x1xf32>, vector<64x1xf32> -> vector<64x1xf32>
    %add3A_266 = vector.broadcast %dot_general3A_265 : vector<64x1xf32> to vector<64x1024xf32>
    %add3A_267 = arith.addf %select_n3A_251, %add3A_266 : vector<64x1024xf32>
    %swap3A_268 = arith.constant 6 : index
    %swap3A_269 = arith.constant 0 : index
    %swap3A_270 = arith.constant 0 : index
    %swap3A_271 = vector.load %arg4[%swap3A_268, %swap3A_269, %swap3A_270] : memref<8x64x1024xf32, #tpu.memory_space<vmem>>, vector<1x64x1024xf32>
    %swap3A_272 = vector.shape_cast %swap3A_271 : vector<1x64x1024xf32> to vector<64x1024xf32>
    %swap3A_273 = vector.shape_cast %add3A_267 : vector<64x1024xf32> to vector<1x64x1024xf32>
    tpu.vector_store %arg4[%swap3A_268, %swap3A_269, %swap3A_270], %swap3A_273 {strides = array<i32>} : memref<8x64x1024xf32, #tpu.memory_space<vmem>>, vector<1x64x1024xf32>,
    %get3A_274 = arith.constant 7168 : index
    %get3A_275 = arith.constant 0 : index
    %get3A_276 = vector.load %arg1[%get3A_274, %get3A_275] : memref<8192x128xf32, #tpu.memory_space<vmem>>, vector<1024x128xf32>
    %get3A_277 = arith.constant 7 : index
    %get3A_278 = arith.constant 0 : index
    %get3A_279 = vector.load %arg2[%get3A_277, %get3A_278] : memref<8x1024xi32, #tpu.memory_space<vmem>>, vector<1x1024xi32>
    %and3A_280 = arith.constant 1 : i32
    %and3A_281 = vector.broadcast %and3A_280 : i32 to vector<1x1024xi32>
    %and3A_282 = arith.andi %get3A_279, %and3A_281 : vector<1x1024xi32>
    %eq3A_283 = arith.constant 1 : i32
    %eq3A_284 = vector.broadcast %eq3A_283 : i32 to vector<1x1024xi32>
    %eq3A_285 = arith.cmpi eq, %and3A_282, %eq3A_284 : vector<1x1024xi32>
    %slice3A_286 = vector.extract_strided_slice %get3A_276 {offsets = [0, 64], sizes = [1024, 64], strides = [1, 1]} : vector<1024x128xf32> to vector<1024x64xf32>
    %transpose3A_287 = tpu.transpose %slice3A_286, [1, 0] : vector<1024x64xf32> -> vector<64x1024xf32>
    %slice3A_288 = vector.extract_strided_slice %get3A_276 {offsets = [0, 0], sizes = [1024, 64], strides = [1, 1]} : vector<1024x128xf32> to vector<1024x64xf32>
    %transpose3A_289 = tpu.transpose %slice3A_288, [1, 0] : vector<1024x64xf32> -> vector<64x1024xf32>
    %broadcast_in_dim3A_290 = vector.shape_cast %eq3A_285 : vector<1x1024xi1> to vector<1x1024xi1>
    %broadcast_in_dim3A_291 = vector.broadcast %broadcast_in_dim3A_290 : vector<1x1024xi1> to vector<64x1024xi1>
    %select_n3A_292 = arith.select %broadcast_in_dim3A_291, %transpose3A_287, %transpose3A_289 : vector<64x1024xi1>, vector<64x1024xf32>
    %iota3A_293 = tpu.iota {dimensions = array<i32: 0>} : vector<200x1xi32>
    %mul3A_294 = arith.constant 8 : i32
    %mul3A_295 = arith.muli %arg0, %mul3A_294 : i32
    %add3A_296 = arith.constant 7 : i32
    %add3A_297 = arith.addi %mul3A_295, %add3A_296 : i32
    %eq3A_298 = vector.broadcast %add3A_297 : i32 to vector<200x1xi32>
    %eq3A_299 = arith.cmpi eq, %iota3A_293, %eq3A_298 : vector<200x1xi32>
    %convert_element_type3A_300 = arith.extui %eq3A_299 : vector<200x1xi1> to vector<200x1xi32>
    %convert_element_type3A_301 = arith.sitofp %convert_element_type3A_300 : vector<200x1xi32> to vector<200x1xf32>
    %get3A_302 = arith.constant 0 : index
    %get3A_303 = arith.constant 0 : index
    %get3A_304 = vector.load %arg3[%get3A_302, %get3A_303] : memref<64x200xf32, #tpu.memory_space<vmem>>, vector<64x200xf32>
    %dot_general3A_305 = arith.constant dense<0.000000e+00> : vector<64x1xf32>
    %dot_general3A_306 = tpu.matmul %get3A_304, %convert_element_type3A_301, %dot_general3A_305 {dimension_numbers = #tpu.dot_dimension_numbers<[1], [0], [0], [1], [0, 0, 1, 1], [], []>, precision = #tpu.contract_precision<fp32>, transpose_lhs_hint = false} : vector<64x200xf32>, vector<200x1xf32>, vector<64x1xf32> -> vector<64x1xf32>
    %add3A_307 = vector.broadcast %dot_general3A_306 : vector<64x1xf32> to vector<64x1024xf32>
    %add3A_308 = arith.addf %select_n3A_292, %add3A_307 : vector<64x1024xf32>
    %swap3A_309 = arith.constant 7 : index
    %swap3A_310 = arith.constant 0 : index
    %swap3A_311 = arith.constant 0 : index
    %swap3A_312 = vector.load %arg4[%swap3A_309, %swap3A_310, %swap3A_311] : memref<8x64x1024xf32, #tpu.memory_space<vmem>>, vector<1x64x1024xf32>
    %swap3A_313 = vector.shape_cast %swap3A_312 : vector<1x64x1024xf32> to vector<64x1024xf32>
    %swap3A_314 = vector.shape_cast %add3A_308 : vector<64x1024xf32> to vector<1x64x1024xf32>
    tpu.vector_store %arg4[%swap3A_309, %swap3A_310, %swap3A_311], %swap3A_314 {strides = array<i32>} : memref<8x64x1024xf32, #tpu.memory_space<vmem>>, vector<1x64x1024xf32>,
    return
  }
  func.func @transform_0(%arg0: i32) -> (i32, i32) {
    %c0_i32 = arith.constant 0 : i32
    %c0_i32_0 = arith.constant 0 : i32
    return %arg0, %c0_i32 : i32, i32
  }
  func.func @transform_1(%arg0: i32) -> (i32, i32) {
    %c0_i32 = arith.constant 0 : i32
    %c0_i32_0 = arith.constant 0 : i32
    return %arg0, %c0_i32 : i32, i32
  }
  func.func @transform_2(%arg0: i32) -> (i32, i32) {
    %c0_i32 = arith.constant 0 : i32
    %c0_i32_0 = arith.constant 0 : i32
    %c0_i32_1 = arith.constant 0 : i32
    return %c0_i32, %c0_i32_0 : i32, i32
  }
  func.func @transform_3(%arg0: i32) -> (i32, i32, i32) {
    %c0_i32 = arith.constant 0 : i32
    %c0_i32_0 = arith.constant 0 : i32
    %c0_i32_1 = arith.constant 0 : i32
    return %arg0, %c0_i32, %c0_i32_0 : i32, i32, i32
  }
}

</mosaic_0001>

<sc_bundles>
// kernel: kernel.6.cloned.1.call-start
scs
__scs_entry_jumppad:
0x0: {  	(pc) =	sbr.rel $0x88, $3  }
0x1: {  	(tag) =	ssettag $0x0;
	lr =	simm.s32 $0x1  }
0x2: {  	[smem:$0x3F9F] =	sst lr;
	_ =	strace $0xD0000000  }
0x3: {  	_ = 	snop  }
0x4: {  	_ = 	snop  }
0x5: {  	_ = 	snop  }
0x6: {  	_ = 	snop  }
0x7: {  	_ = 	snop  }
__scs_overlays_trampoline_lowered:
0x8: {  	[smem:$0x3FAE] =	sst s0  }
0x9: {  	[smem:$0x3FAF] =	sst s1  }
0xa: {  	[smem:$0x3FB0] =	sst s2  }
0xb: {  	[smem:$0x3FB1] =	sst s3  }
0xc: {  	[smem:$0x3FB2] =	sst s4  }
0xd: {  	[smem:$0x3FB3] =	sst s5  }
0xe: {  	[smem:$0x3FB4] =	sst s6  }
0xf: {  	[smem:$0x3FB5] =	sst s7  }
0x10: {  	[smem:$0x3FB6] =	sst s8  }
0x11: {  	[smem:$0x3FB7] =	sst s9;
	s0 =	simm.s32 @!p0 $0x0  }
0x12: {  	s1 =	sld [smem:$0x3F9D];
	s0 =	simm.s32 @p0 $0x1  }
0x13: {  	[smem:$0x3FB8] =	sst s0;
	s0 =	simm.s32 @!p1 $0x0  }
0x14: {  	s2 =	sld [smem:$0x3F9C];
	s0 =	simm.s32 @p1 $0x1  }
0x15: {  	[smem:$0x3FB9] =	sst s0;
	s0 =	simm.s32 @!p2 $0x0  }
0x16: {  	s3 =	sld [smem:$0x3FDB];
	s0 =	simm.s32 @p2 $0x1  }
0x17: {  	s4 =	simm.s32 $0x1BF5;
	[smem:$0x3FBB] =	sst s0  }
0x18: {  	s0 =	sld [smem:$0x3F9E];
	_ =	swait.ge [sflag:s4], $0x0  }
0x19: {  	s7 =	sld [smem:$0x3F9F]  }
0x1a: {  	s8 =	sadd.s32 $0xFFFFE003, lr  }
0x1b: {  	s9 =	sadd.s32 $0xFFFFFEF7, lr;
	s5 =	simm.s32 $0xFFFFFFFF;
	p2 =	slt.u32 s8, $0xFFFFF086  }
0x1c: {  	p1 =	slt.u32 s9, $0xF7A;
	s5 =	simm.s32 @!p2 $0x0  }
0x1d: {  	s5 =	simm.s32 @p1 $0x1;
	p0 =	seq.s32 s7, s2  }
0x1e: {  	s7 =	smul.u32 @!p0 $0xF7A, s2;
	p2 =	seq.s32 @!p0 s5, $0x0  }
0x1f: {  	s9 =	smul.u32 $0xF7A, s1;
	s8 =	simm.s32 @!p0 $0x1BF5;
	p2 =	por !p2, p0  }
0x20: {  	[sflag:s8] =	ssyncset.s32 @!p0 $0xFFFFF086;
	s6 =	sadd.s32 @!p0 s3, s7;
	s7 =	simm.s32 @!p0 $0x108  }
0x21: {  	s3 =	sadd.s32 s3, s9;
	s6 =	sadd.s32 @!p0 $0x88, s6;
	s7 =	simm.s32 @p2 $0x1082  }
0x22: {  	[simem:s7], [sflag:s8] =	dma.local @!p0 [hbm:s6], $0xF7A  }
0x23: {  	s9 =	sor.u32 $0xD0000000, s2;
	s6 =	simm.s32 $0x108;
	_ =	swait.ge @!p0 [sflag:s8], $0x0  }
0x24: {  	s3 =	sadd.s32 $0x88, s3;
	s6 =	simm.s32 @!p1 $0x1082;
	[sflag:s4] =	ssyncset.s32 $0xFFFFF086  }
0x25: {  	[simem:s6], [sflag:s4] =	dma.local [hbm:s3], $0xF7A  }
0x26: {  	[smem:$0x3F9F] =	sst s1;
	(tag) =	ssettag s2;
	_ =	strace s9  }
0x27: {  	s1 =	sld [smem:$0x3FAF]  }
0x28: {  	s2 =	sld [smem:$0x3FB0]  }
0x29: {  	s4 =	sld [smem:$0x3FB2]  }
0x2a: {  	p0 =	seq.s32 s5, $0x0;
	s5 =	sld [smem:$0x3FB3]  }
0x2b: {  	s6 =	sld [smem:$0x3FB4]  }
0x2c: {  	s7 =	sld [smem:$0x3FB5]  }
0x2d: {  	s3 =	simm.s32 $0x108;
	s8 =	sld [smem:$0x3FB6]  }
0x2e: {  	s3 =	simm.s32 @!p0 $0x1082;
	s9 =	sld [smem:$0x3FB7]  }
0x2f: {  	lr =	sadd.s32 s0, s3;
	s0 =	sld [smem:$0x3FAE]  }
0x30: {  	s3 =	sld [smem:$0x3FB1]  }
0x31: {  	[smem:$0x3FBA] =	sst s10  }
0x32: {  	s10 =	sld [smem:$0x3FB8];
	_ =	sdelay $0x3  }
0x33: {  	p0 =	seq.s32 s10, $0x1;
	s10 =	sld [smem:$0x3FBA];
	_ =	sdelay $0x3  }
0x34: {  	[smem:$0x3FBA] =	sst s10  }
0x35: {  	s10 =	sld [smem:$0x3FB9];
	_ =	sdelay $0x3  }
0x36: {  	p1 =	seq.s32 s10, $0x1;
	s10 =	sld [smem:$0x3FBA];
	_ =	sdelay $0x3  }
0x37: {  	[smem:$0x3FBA] =	sst s10  }
0x38: {  	s10 =	sld [smem:$0x3FBB]  }
0x39: {  	_ = 	snop;
	(pc) =	sbr.ind lr, $3  }
0x3a: {  	_ = 	snop  }
0x3b: {  	_ = 	snop  }
0x3c: {  	p2 =	seq.s32 s10, $0x1;
	s10 =	sld [smem:$0x3FBA]  }
0x3d: {  	_ =	shalt  }
0x3e: {  	_ =	shalt  }
0x3f: {  	_ =	shalt  }
0x40: {  	_ =	shalt  }
0x41: {  	_ =	shalt  }
0x42: {  	_ =	shalt  }
0x43: {  	_ =	shalt  }
0x44: {  	_ =	shalt  }
0x45: {  	_ =	shalt  }
0x46: {  	_ =	shalt  }
0x47: {  	_ =	shalt  }
0x48: {  	_ =	shalt  }
0x49: {  	_ =	shalt  }
0x4a: {  	_ =	shalt  }
0x4b: {  	_ =	shalt  }
0x4c: {  	_ =	shalt  }
0x4d: {  	_ =	shalt  }
0x4e: {  	_ =	shalt  }
0x4f: {  	_ =	shalt  }
0x50: {  	_ =	shalt  }
0x51: {  	_ =	shalt  }
0x52: {  	_ =	shalt  }
0x53: {  	_ =	shalt  }
0x54: {  	_ =	shalt  }
0x55: {  	_ =	shalt  }
0x56: {  	_ =	shalt  }
0x57: {  	_ =	shalt  }
0x58: {  	_ =	shalt  }
0x59: {  	_ =	shalt  }
0x5a: {  	_ =	shalt  }
0x5b: {  	_ =	shalt  }
0x5c: {  	_ =	shalt  }
0x5d: {  	_ =	shalt  }
0x5e: {  	_ =	shalt  }
0x5f: {  	_ =	shalt  }
0x60: {  	_ =	shalt  }
0x61: {  	_ =	shalt  }
0x62: {  	_ =	shalt  }
0x63: {  	_ =	shalt  }
0x64: {  	_ =	shalt  }
0x65: {  	_ =	shalt  }
0x66: {  	_ =	shalt  }
0x67: {  	_ =	shalt  }
0x68: {  	_ =	shalt  }
0x69: {  	_ =	shalt  }
0x6a: {  	_ =	shalt  }
0x6b: {  	_ =	shalt  }
0x6c: {  	_ =	shalt  }
0x6d: {  	_ =	shalt  }
0x6e: {  	_ =	shalt  }
0x6f: {  	_ =	shalt  }
0x70: {  	_ =	shalt  }
0x71: {  	_ =	shalt  }
0x72: {  	_ =	shalt  }
0x73: {  	_ =	shalt  }
0x74: {  	_ =	shalt  }
0x75: {  	_ =	shalt  }
0x76: {  	_ =	shalt  }
0x77: {  	_ =	shalt  }
0x78: {  	_ =	shalt  }
0x79: {  	_ =	shalt  }
0x7a: {  	_ =	shalt  }
0x7b: {  	_ =	shalt  }
0x7c: {  	_ =	shalt  }
0x7d: {  	_ =	shalt  }
0x7e: {  	_ =	shalt  }
0x7f: {  	_ =	shalt  }
0x80: {  	_ =	shalt  }
0x81: {  	_ =	shalt  }
0x82: {  	_ =	shalt  }
0x83: {  	_ =	shalt  }
0x84: {  	_ =	shalt  }
0x85: {  	_ =	shalt  }
0x86: {  	_ =	shalt  }
0x87: {  	_ =	shalt  }
.Lfunc_end0:
.L_simem_size_0:
called_computation_lowered:
.L_overlay_start_0:
0x88: {  	s2 =	sld [smem:$0x3FD9]  }
0x89: {  	s3 =	sld [smem:$0x3FFE];
	_ =	sdelay $0x1  }
0x8a: {  	s1 =	srdreg.scid  }
0x8b: {  	s0 =	sand.u32 $0x1, s1  }
0x8c: {  	s14 =	sshll.u32 s0, $0xA;
	s2 =	sadd.s32 s3, s2  }
0x8d: {  	s2 =	sadd.s32 s2, s14  }
0x8e: {  	[smem:$0x3FC6] =	sst s2  }
0x8f: {  	_ = 	snop  }
0x90: {  	s2 =	sld [smem:$0x3FD0];
	_ =	sdelay $0x2  }
0x91: {  	s15 =	simm.s32 $0xA;
	s4 =	simm.s32 $0x10  }
0x92: {  	[smem:s4], [sflag:s15] =	dma.local [hbm:s2], $0x1  }
0x93: {  	_ =	swait.eq [sflag:s15], $0x1  }
0x94: {  	[sflag:s15] =	ssyncset.done $0x0  }
0x95: {  	[sflag:s15] =	ssyncadd.s32 $0xFFFFFFFF  }
0x96: {  	s16 =	sld [smem:$0x11];
	(tm) =	ssettm $0x1  }
0x97: {  	s17 =	sld [smem:$0x3FFB];
	_ =	sdelay $0x3  }
0x98: {  	_ =	strace s17  }
0x99: {  	s3 =	sld [smem:$0x3FFC];
	_ =	sdelay $0x3  }
0x9a: {  	_ =	strace s3  }
0x9b: {  	s3 =	sld [smem:$0x3FFD];
	_ =	sdelay $0x3  }
0x9c: {  	_ =	strace s3  }
0x9d: {  	_ =	strace $0x8FFFFFFF  }
0x9e: {  	s18 =	sld [smem:$0x3FDB];
	_ =	sdelay $0x1  }
0x9f: {  	s19 =	simm.s32 $_scs_section_size  }
0xa0: {  	s5 =	simm.s32 $_size__tile_overlayer_lowered;
	s6 =	simm.s32 $_tile_overlayer_lowered  }
0xa1: {  	s22 =	simm.s32 $0x1BFF;
	s21 =	sshll.u32 s6, $0x1;
	s3 =	sadd.s32 s19, s18  }
0xa2: {  	s7 =	simm.s32 $0x0;
	s20 =	sshll.u32 s5, $0x1;
	s5 =	sadd.s32 s21, s3  }
0xa3: {  	[timem:s7], [sflag:s22] =	dma.local [hbm:s5], s20  }
0xa4: {  	_ =	swait.ge [sflag:s22], s20  }
0xa5: {  	s4 =	ssub.s32 $0x0, s20;
	[sflag:s22] =	ssyncset.done $0x0  }
0xa6: {  	[sflag:s22] =	ssyncadd.s32 s4;
	_ =	sdelay $0x1  }
0xa7: {  	s23 =	simm.s32 $0x1B8B  }
0xa8: {  	_ =	swait.ge [sflag:s23], $0x1  }
0xa9: {  	[sflag:s23] =	ssyncset.done $0x0  }
0xaa: {  	s25 =	simm.s32 $0x1B8E;
	s24 =	sld [smem:$0x3FFE];
	[sflag:s23] =	ssyncadd.s32 $0xFFFFFFFF  }
0xab: {  	s26 =	simm.s32 $execute0_lowered;
	[smem:$0x3FD2] =	sst s25  }
0xac: {  	s5 =	sshll.u32 s26, $0x1;
	_ =	strace $0x80000046;
	[dreg:$0x1] =	wrdreg $0xFFFFFFFF  }
0xad: {  	s28 =	simm.s32 $_size_execute0_lowered;
	s3 =	sadd.s32 s3, s5;
	[dreg:$0x0] =	wrdreg $0x0  }
0xae: {  	s5 =	sshll.u32 s28, $0x1;
	[dreg:$0x2] =	wrdreg s3  }
0xaf: {  	[dreg:$0x3] =	wrdreg s5  }
0xb0: {  	[dreg:$0x4] =	wrdreg $0xC0  }
0xb1: {  	_ =	task [dreg:s7], $0x5FFFF  }
0xb2: {  	[dreg:$0x1] =	wrdreg $0xFFFFFFFF  }
0xb3: {  	[dreg:$0x0] =	wrdreg $0x60  }
0xb4: {  	[dreg:$0x2] =	wrdreg s24  }
0xb5: {  	[dreg:$0x3] =	wrdreg s16  }
0xb6: {  	[dreg:$0x4] =	wrdreg $0x9  }
0xb7: {  	_ =	task.clear_ibuf [dreg:s7], $0x5FFFF;
	_ =	strace $0x90000046  }
0xb8: {  	s29 =	simm.s32 $0x9;
	_ =	strace $0x80000048  }
0xb9: {  	_ =	swait.ge [sflag:s29], $0x1  }
0xba: {  	[sflag:s29] =	ssyncadd.s32 $0xFFFFFFFF  }
0xbb: {  	_ =	strace $0x90000048  }
0xbc: {  	_ =	sfence  }
0xbd: {  	s30 =	sld [smem:$0x0];
	_ =	sdelay $0x2  }
0xbe: {  	s31 =	sshll.u32 s1, $0xD;
	s1 =	sshrl.u32 s1, $0x2  }
0xbf: {  	s3 =	sand.u32 $0x4000, s31;
	s1 =	sadd.s32 s1, s30  }
0xc0: {  	s0 =	sor.u32 s3, s0;
	s1 =	sshll.u32 s1, $0x11  }
0xc1: {  	s0 =	sor.u32 s1, s0  }
0xc2: {  	s0 =	sadd.s32 $0x8F2B, s0  }
0xc3: {  	[sflag:s0] =	ssyncadd.remote.s32 $0x1  }
0xc4: {  	_ =	sfence.sel $0xFFFF  }
0xc5: {  	[dreg:$0x0] =	wrdreg $0xFFFFFFFF;
	(pc) =	sbr.abs _section_cstart, $3  }
0xc6: {  	[dreg:$0x1] =	wrdreg $0xFFFFFFFF  }
0xc7: {  	_ =	task.clear_ibuf [dreg:s7], $0x2FFFF;
	_ =	strace $0x9FFFFFFF  }
0xc8: {  	(tm) =	ssettm $0x7FFFFFFF  }
0xc9: {  	_ =	shalt  }
tec
execute0_lowered:
.L_overlay_start_1:
0x0: {  	(tag) =	ssettag $0x1  }
0x1: {  	s3 =	rddreg [dreg:$0x0];
	s1 =	srdreg.scid  }
0x2: {  	s0 =	stileid.u32;
	s8 =	rddreg [dreg:$0x1]  }
0x3: {  	s2 =	simm.s32 $0x0;
	s12 =	simm.s32 $0x1C00;
	s13 =	simm.s32 $0x1  }
0x4: {  	s14 =	simm.s32 $0x5C00;
	s15 =	simm.s32 $0x2;
	s9 =	smul.u32 $0x64, s0  }
0x5: {  	s16 =	simm.s32 $0x0;
	s6 =	sand.u32 $0x1, s1;
	s29 =	smul.u32 $0x32000, s0  }
0x6: {  	s4 =	sshll.u32 s0, $0x1;
	s1 =	rddreg [dreg:$0x2];
	s11 =	smul.u32 $0x32, s6  }
0x7: {  	[smem:$0x7FF] =	sst s2;
	s4 =	sor.u32 s6, s4;
	s30 =	smul.u32 $0x19000, s6  }
0x8: {  	_ =	strace $0x80000047;
	s28 =	ssub.s32 $0x2, s6;
	s5 =	smul.u32 $0x380, s4  }
0x9: {  	s7 =	smul.u32 $0x19000, s4;
	s10 =	sshrl.u32 s28, $0x1;
	s9 =	sadd.s32 s11, s9  }
0xa: {  	s11 =	simm.s32 $0x80;
	s26 =	sadd.s32 s5, s3;
	s3 =	sadd.s32 $0xF49E00, s3  }
0xb: {  	s5 =	ssub.s32 s28, s10;
	s6 =	sadd.s32 s8, s7;
	s9 =	sshll.u32 s9, $0xB  }
0xc: {  	s10 =	sadd.s32 s29, s8;
	s4 =	sadd.s32 $0xA00, s26;
	s5 =	smax.u32 s5, $0x1  }
0xd: {  	s7 =	sadd.s32 $0x800, s6;
	s8 =	sadd.s32 s8, s9;
	s31 =	sadd.s32 s30, s10  }
0xe: {  	s10 =	simm.s32 $0x3;
	s8 =	sadd.s32 $0x1800, s8;
	s9 =	sadd.s32 $0x1000, s31  }
.LBB2_1:
0xf: {  	[tilespmem:s2], [sflag:$0x3] =	stream.linear.gather [hbm4b:s4+s2], $0x1900, $0x38;
	[tilespmem:$0x9C00] =	vst v63  }
0x10: {  	_ =	swait.ge [sflag:s10], $0x1900  }
0x11: {  	[sflag:s10] =	ssyncset.done $0x0  }
0x12: {  	[sflag:s10] =	ssyncadd.s32 $0xFFFFE700  }
0x13: {  	[tilespmem:s12], [sflag:$0x1] =	stream.indirect.gather [hbm4b:s3+s11], $0x80, s2, s11, $0xb8;
	[tilespmem:$0x9C00] =	vst v63  }
0x14: {  	_ =	swait.ge [sflag:s13], $0x4000  }
0x15: {  	[sflag:s13] =	ssyncset.done $0x0  }
0x16: {  	[sflag:s13] =	ssyncadd.s32 $0xFFFFC000  }
0x17: {  	[hbm4b:s6+s2] =	stream.linear.scatter [tilespmem:s12], [sflag:$0x2], $0x4000, $0x38;
	[tilespmem:$0x9C00] =	vst v63  }
0x18: {  	_ = 	snop  }
0x19: {  	[tilespmem:s14], [sflag:$0x1] =	stream.indirect.gather [hbm4b:s3+s11], $0x80, s11, s11, $0xb8;
	[tilespmem:$0x9C00] =	vst v63  }
0x1a: {  	_ =	swait.ge [sflag:s13], $0x4000  }
0x1b: {  	[sflag:s13] =	ssyncset.done $0x0  }
0x1c: {  	[sflag:s13] =	ssyncadd.s32 $0xFFFFC000  }
0x1d: {  	[hbm4b:s7+s2] =	stream.linear.scatter [tilespmem:s14], [sflag:$0x2], $0x4000, $0x38;
	[tilespmem:$0x9C00] =	vst v63  }
0x1e: {  	_ =	swait.ge [sflag:s15], $0x4000  }
0x1f: {  	[sflag:s15] =	ssyncset.done $0x0  }
0x20: {  	s17 =	simm.s32 $0x100;
	[sflag:s15] =	ssyncadd.s32 $0xFFFFC000  }
0x21: {  	[tilespmem:s12], [sflag:$0x1] =	stream.indirect.gather [hbm4b:s3+s11], $0x80, s17, s11, $0xb8;
	[tilespmem:$0x9C00] =	vst v63  }
0x22: {  	_ =	swait.ge [sflag:s13], $0x4000  }
0x23: {  	[sflag:s13] =	ssyncset.done $0x0  }
0x24: {  	s30 =	sadd.s32 $0x0, s9;
	[sflag:s13] =	ssyncadd.s32 $0xFFFFC000  }
0x25: {  	[hbm4b:s30+s2] =	stream.linear.scatter [tilespmem:s12], [sflag:$0x2], $0x4000, $0x38;
	[tilespmem:$0x9C00] =	vst v63  }
0x26: {  	_ =	swait.ge [sflag:s15], $0x4000  }
0x27: {  	[sflag:s15] =	ssyncset.done $0x0  }
0x28: {  	s31 =	simm.s32 $0x180;
	[sflag:s15] =	ssyncadd.s32 $0xFFFFC000  }
0x29: {  	[tilespmem:s14], [sflag:$0x1] =	stream.indirect.gather [hbm4b:s3+s11], $0x80, s31, s11, $0xb8;
	[tilespmem:$0x9C00] =	vst v63  }
0x2a: {  	_ =	swait.ge [sflag:s13], $0x4000  }
0x2b: {  	s19 =	sadd.s32 $0x0, s8;
	[sflag:s13] =	ssyncset.done $0x0  }
0x2c: {  	s18 =	simm.s32 $0x200;
	s17 =	simm.s32 $0x1000;
	[sflag:s13] =	ssyncadd.s32 $0xFFFFC000  }
.LBB2_2:
0x2d: {  	[hbm4b:s19+s2] =	stream.linear.scatter [tilespmem:s14], [sflag:$0x2], $0x4000, $0x38;
	[tilespmem:$0x9C00] =	vst v63  }
0x2e: {  	s19 =	smov.u32 s17  }
0x2f: {  	p0 =	sne.s32 s17, $0x17000;
	s17 =	sadd.s32 $0x1000, s17;
	_ =	swait.ge [sflag:s15], $0x4000  }
0x30: {  	[sflag:s15] =	ssyncset.done $0x0  }
0x31: {  	[sflag:s15] =	ssyncadd.s32 $0xFFFFC000  }
0x32: {  	[tilespmem:s12], [sflag:$0x1] =	stream.indirect.gather [hbm4b:s3+s11], $0x80, s18, s11, $0xb8;
	[tilespmem:$0x9C00] =	vst v63  }
0x33: {  	_ =	swait.ge [sflag:s13], $0x4000  }
0x34: {  	[sflag:s13] =	ssyncset.done $0x0  }
0x35: {  	s20 =	sadd.s32 s19, s9;
	[sflag:s13] =	ssyncadd.s32 $0xFFFFC000  }
0x36: {  	[hbm4b:s20+s2] =	stream.linear.scatter [tilespmem:s12], [sflag:$0x2], $0x4000, $0x38;
	[tilespmem:$0x9C00] =	vst v63  }
0x37: {  	_ =	swait.ge [sflag:s15], $0x4000  }
0x38: {  	[sflag:s15] =	ssyncset.done $0x0  }
.Ltmp0:
0x39: {  	s20 =	sadd.s32 $0x80, s18;
	[sflag:s15] =	ssyncadd.s32 $0xFFFFC000;
	(pc) =	sbr.rel @p0 .LBB2_2-.Ltmp0, $4  }
0x3a: {  	[tilespmem:s14], [sflag:$0x1] =	stream.indirect.gather [hbm4b:s3+s11], $0x80, s20, s11, $0xb8;
	[tilespmem:$0x9C00] =	vst v63  }
0x3b: {  	_ =	swait.ge [sflag:s13], $0x4000  }
0x3c: {  	[sflag:s13] =	ssyncset.done $0x0  }
0x3d: {  	s19 =	sadd.s32 s19, s8;
	s18 =	sadd.s32 $0x100, s18;
	[sflag:s13] =	ssyncadd.s32 $0xFFFFC000  }
0x3e: {  	[hbm4b:s19+s2] =	stream.linear.scatter [tilespmem:s14], [sflag:$0x2], $0x4000, $0x38;
	[tilespmem:$0x9C00] =	vst v63  }
0x3f: {  	s16 =	sadd.s32 $0x1, s16  }
0x40: {  	_ =	swait.ge [sflag:s15], $0x4000;
	p0 =	sne.s32 s16, s5  }
.Ltmp1:
0x41: {  	[sflag:s15] =	ssyncset.done $0x0;
	(pc) =	sbr.rel @p0 .LBB2_1-.Ltmp1, $4  }
0x42: {  	[sflag:s15] =	ssyncadd.s32 $0xFFFFC000  }
0x43: {  	_ =	swait.ge [sflag:s15], $0x4000  }
0x44: {  	[sflag:s15] =	ssyncset.done $0x0  }
0x45: {  	[sflag:s15] =	ssyncadd.s32 $0xFFFFC000  }
0x46: {  	_ =	sfence.sel $0x180000  }
0x47: {  	[bflag:$0x0] =	sbarrier.arrive $0xFFFF  }
0x48: {  	p0 =	sne.s32 s0, $0x0;
	_ =	strace $0x90000047  }
0x49: {  	s0 =	sadd.s32 @!p0 $0x100000, s1;
	[bflag:$0x2] =	sbarrier.arrive $0xFFFF  }
0x4a: {  	[sflag:s0] =	ssyncadd.tile.s32 @!p0 $0x1;
	_ =	shalt  }
.Lfunc_end2:
_tile_overlayer_lowered:
.L_overlay_start_2:
0x4b: {  	(tag) =	ssettag $0x2  }
0x4c: {  	s0 =	rddreg [dreg:$0x0];
	s2 =	stileid.u32  }
0x4d: {  	s1 =	rddreg [dreg:$0x1];
	p0 =	sne.s32 s2, $0x0  }
0x4e: {  	s3 =	rddreg [dreg:$0x2];
	[bflag:$0x3] =	sbarrier.arrive $0xFFFF;
	s2 =	simm.s32 @!p0 $0x1C03  }
0x4f: {  	[timem:s3], [sflag:s2] =	dma.local @!p0 [hbm:s0], s1  }
0x50: {  	s0 =	simm.s32 @!p0 $0x3  }
0x51: {  	_ =	swait.ge @!p0 [sflag:s0], s1  }
0x52: {  	s1 =	ssub.s32 @!p0 $0x0, s1;
	[sflag:s0] =	ssyncset.done @!p0 $0x0  }
0x53: {  	[sflag:s0] =	ssyncadd.s32 @!p0 s1  }
0x54: {  	[bflag:$0x3] =	sbarrier.arrive $0xFFFF  }
0x55: {  	_ =	shalt  }

</sc_bundles>
